<compile_context>
chip_gen: v7x
topology: tpu7x:2x2x1
jax: 0.10.2.dev20260603
libtpu: 0.0.44.dev20260713+nightly
codegen_flags: <defaults>
</compile_context>

<pallas_src>
import functools

import jax
import jax.numpy as jnp
from jax import lax
from jax.experimental import pallas as pl
from jax.experimental.pallas import tpu as pltpu
from jax.experimental.pallas import tpu_sc as plsc

N = 1000000
MD = 64
DECAY = 0.1
B = 16384

NC = 2
NS = 16
NW = NC * NS
BPW = B // NW
CHUNK = 128
CPT = BPW // CHUNK
IDX_ROWS = B // CHUNK
NPAIR = N // 2

_PACK_ROWS = 4000
_PACK_GRID = NPAIR // _PACK_ROWS


def _repack_body(lo_ref, hi_ref, out_ref):
    out_ref[:, 0:MD] = lo_ref[...]
    out_ref[:, MD:2 * MD] = hi_ref[...]


def _repack(memory):
    return pl.pallas_call(
        _repack_body,
        grid=(_PACK_GRID,),
        in_specs=[pl.BlockSpec((_PACK_ROWS, MD), lambda i: (i, 0)),
                  pl.BlockSpec((_PACK_ROWS, MD), lambda i: (i + _PACK_GRID, 0))],
        out_specs=pl.BlockSpec((_PACK_ROWS, 2 * MD), lambda i: (i, 0)),
        out_shape=jax.ShapeDtypeStruct((NPAIR, 2 * MD), jnp.float32),
    )(memory, memory)


def _sc_gather_body(mem_hbm, lu_hbm, spair_hbm, dpair_hbm, sidx_hbm, didx_hbm,
                    out_gs, out_gd, out_ls, out_ld,
                    tid, idx_s, idx_d, rows, lus, lud, sem):
    wid = lax.axis_index("s") * NC + lax.axis_index("c")
    crow = wid * CPT
    base = wid * BPW
    pltpu.sync_copy(sidx_hbm.at[pl.ds(crow, CPT), :], idx_s)
    pltpu.sync_copy(didx_hbm.at[pl.ds(crow, CPT), :], idx_d)
    lu_copies = []
    for k in range(CPT):
        lu_copies.append(pltpu.make_async_copy(
            lu_hbm.at[idx_s.at[k]], lus.at[k], sem))
        lu_copies.append(pltpu.make_async_copy(
            lu_hbm.at[idx_d.at[k]], lud.at[k], sem))
    for c in lu_copies:
        c.start()
    for pair_hbm, out_ref in ((spair_hbm, out_gs), (dpair_hbm, out_gd)):
        pltpu.sync_copy(pair_hbm.at[pl.ds(crow, CPT), :], tid)
        copies = []
        for k in range(CPT):
            copies.append(pltpu.make_async_copy(
                mem_hbm.at[tid.at[k]], rows.at[pl.ds(k * CHUNK, CHUNK), :], sem))
        for c in copies:
            c.start()
        for c in copies:
            c.wait()
        pltpu.sync_copy(rows, out_ref.at[pl.ds(base, BPW), :])
    for c in lu_copies:
        c.wait()
    pltpu.sync_copy(lus, out_ls.at[pl.ds(crow, CPT), :])
    pltpu.sync_copy(lud, out_ld.at[pl.ds(crow, CPT), :])


@functools.cache
def _make_sc_gather():
    mesh = plsc.VectorSubcoreMesh(
        core_axis_name="c", subcore_axis_name="s",
        num_cores=NC, num_subcores=NS)
    return pl.kernel(
        _sc_gather_body,
        out_type=[
            jax.ShapeDtypeStruct((B, 2 * MD), jnp.float32),
            jax.ShapeDtypeStruct((B, 2 * MD), jnp.float32),
            jax.ShapeDtypeStruct((IDX_ROWS, CHUNK), jnp.float32),
            jax.ShapeDtypeStruct((IDX_ROWS, CHUNK), jnp.float32),
        ],
        mesh=mesh,
        scratch_types=[
            pltpu.VMEM((CPT, CHUNK), jnp.int32),
            pltpu.VMEM((CPT, CHUNK), jnp.int32),
            pltpu.VMEM((CPT, CHUNK), jnp.int32),
            pltpu.VMEM((BPW, 2 * MD), jnp.float32),
            pltpu.VMEM((CPT, CHUNK), jnp.float32),
            pltpu.VMEM((CPT, CHUNK), jnp.float32),
            pltpu.SemaphoreType.DMA,
        ],
        compiler_params=pltpu.CompilerParams(use_tc_tiling_on_sc=False),
    )


def _sc_gather(memL, last_update, spair, dpair, sidx, didx):
    return _make_sc_gather()(memL, last_update, spair, dpair, sidx, didx)


def _tc_dense_body(ts_ref, lus_ref, lud_ref, rs_ref, rd_ref,
                   gs_ref, gd_ref, sf_ref, df_ref,
                   Wn_ref, bn_ref, Wp1_ref, bp1_ref, Wp2_ref, bp2_ref,
                   Wl1_ref, bl1_ref, Wl2_ref, bl2_ref,
                   link_ref, semb_ref, demb_ref):
    ts = ts_ref[...]

    def emb(lu_ref, r_ref, g_ref, f_ref):
        r = r_ref[...]
        g = g_ref[...]
        lo = (r == 0).astype(jnp.float32)
        hi = (r == 1).astype(jnp.float32)
        mem = g[:, 0:MD] * lo + g[:, MD:2 * MD] * hi
        dt = jnp.maximum(ts - lu_ref[...], 0.0)
        s2 = jnp.exp((-2.0 * DECAY) * dt)
        att = mem * s2
        node = jnp.dot(f_ref[...], Wn_ref[...],
                       preferred_element_type=jnp.float32) + bn_ref[...]
        h = jnp.maximum(
            jnp.dot(att, Wp1_ref[0:MD, :], preferred_element_type=jnp.float32)
            + jnp.dot(node, Wp1_ref[MD:2 * MD, :],
                      preferred_element_type=jnp.float32)
            + bp1_ref[...], 0.0)
        return jnp.dot(h, Wp2_ref[...],
                       preferred_element_type=jnp.float32) + bp2_ref[...]

    es = emb(lus_ref, rs_ref, gs_ref, sf_ref)
    ed = emb(lud_ref, rd_ref, gd_ref, df_ref)
    semb_ref[...] = es
    demb_ref[...] = ed
    hl = jnp.maximum(
        jnp.dot(es, Wl1_ref[0:MD, :], preferred_element_type=jnp.float32)
        + jnp.dot(ed, Wl1_ref[MD:2 * MD, :], preferred_element_type=jnp.float32)
        + bl1_ref[...], 0.0)
    logit = jnp.dot(hl, Wl2_ref[...],
                    preferred_element_type=jnp.float32) + bl2_ref[...]
    link_ref[...] = 1.0 / (1.0 + jnp.exp(-logit))


_TC_BLK = 2048


def _tc_dense(ts2, lus2, lud2, rs2, rd2, gs, gd, sf, df,
              Wn, bn2, Wp1, bp12, Wp2, bp22, Wl1, bl12, Wl2, bl22):
    nb = B // _TC_BLK
    col = pl.BlockSpec((_TC_BLK, 1), lambda i: (i, 0))
    m64 = pl.BlockSpec((_TC_BLK, MD), lambda i: (i, 0))
    f128 = pl.BlockSpec((_TC_BLK, 128), lambda i: (i, 0))

    def w(shape):
        return pl.BlockSpec(shape, lambda i: (0, 0))

    return pl.pallas_call(
        _tc_dense_body,
        grid=(nb,),
        in_specs=[col, col, col, col, col, f128, f128, f128, f128,
                  w((128, MD)), w((1, MD)), w((128, MD)), w((1, MD)),
                  w((MD, MD)), w((1, MD)), w((128, MD)), w((1, MD)),
                  w((MD, 1)), w((1, 1))],
        out_specs=[col, m64, m64],
        out_shape=[
            jax.ShapeDtypeStruct((B, 1), jnp.float32),
            jax.ShapeDtypeStruct((B, MD), jnp.float32),
            jax.ShapeDtypeStruct((B, MD), jnp.float32),
        ],
    )(ts2, lus2, lud2, rs2, rd2, gs, gd, sf, df,
      Wn, bn2, Wp1, bp12, Wp2, bp22, Wl1, bl12, Wl2, bl22)


def kernel(src_ids, dst_ids, src_features, dst_features, timestamps,
           edge_features, memory, last_update, Wn, bn, We, be, Wt, bt,
           Wp1, bp1, Wp2, bp2, Wl1, bl1, Wl2, bl2):
    sid = src_ids.astype(jnp.int32)
    did = dst_ids.astype(jnp.int32)
    spair = jnp.where(sid < NPAIR, sid, sid - NPAIR).reshape(IDX_ROWS, CHUNK)
    dpair = jnp.where(did < NPAIR, did, did - NPAIR).reshape(IDX_ROWS, CHUNK)
    sidx = sid.reshape(IDX_ROWS, CHUNK)
    didx = did.reshape(IDX_ROWS, CHUNK)
    memL = _repack(memory)
    gs, gd, lus, lud = _sc_gather(memL, last_update, spair, dpair, sidx, didx)
    ts2 = timestamps.reshape(B, 1)
    rs2 = (sid >= NPAIR).astype(jnp.int32).reshape(B, 1)
    rd2 = (did >= NPAIR).astype(jnp.int32).reshape(B, 1)
    link, semb, demb = _tc_dense(
        ts2, lus.reshape(B, 1), lud.reshape(B, 1), rs2, rd2, gs, gd,
        src_features, dst_features,
        Wn, bn.reshape(1, MD), Wp1, bp1.reshape(1, MD), Wp2, bp2.reshape(1, MD),
        Wl1, bl1.reshape(1, MD), Wl2, bl2.reshape(1, 1))
    return link, semb, demb

# --- scband reference (transcript-rebuilt; emitter-appended) ---
"""Pipeline reference for scband-decay-temporal-graph-network-69063074120440 (READ-ONLY COPY).

The authoritative reference and input builder live on the scoring server;
editing this copy changes nothing except your own understanding.
"""

import jax, jax.numpy as jnp
import numpy as np

N = 1000000
NF = 128
EF = 16
MD = 64
TD = 64
ED = 64
DECAY = 0.1
B = 16384

def setup_inputs(seed: int = 0) -> dict:
    key = jax.random.key(seed)
    ks = jax.random.split(key, 20)
    inp = {}
    inp["src_ids"] = jax.random.randint(ks[0], (B,), 0, N)
    inp["dst_ids"] = jax.random.randint(ks[1], (B,), 0, N)
    inp["src_features"] = jax.random.normal(ks[2], (B, NF), dtype=jnp.float32)
    inp["dst_features"] = jax.random.normal(ks[3], (B, NF), dtype=jnp.float32)
    inp["timestamps"] = jax.random.uniform(ks[4], (B,), dtype=jnp.float32) * 100.0
    inp["edge_features"] = jax.random.normal(ks[5], (B, EF), dtype=jnp.float32)
    # persistent state buffers (nn.Parameter, requires_grad=False); init nonzero to make gather meaningful
    inp["memory"] = jax.random.normal(ks[6], (N, MD), dtype=jnp.float32) * 0.1
    inp["last_update"] = jax.random.uniform(ks[7], (N,), dtype=jnp.float32) * 50.0
    # learned parameters
    inp["Wn"] = jax.random.normal(ks[8], (NF, MD), dtype=jnp.float32) * 0.05
    inp["bn"] = jnp.zeros((MD,), dtype=jnp.float32)
    inp["We"] = jax.random.normal(ks[9], (EF, MD), dtype=jnp.float32) * 0.05
    inp["be"] = jnp.zeros((MD,), dtype=jnp.float32)
    inp["Wt"] = jax.random.normal(ks[10], (1, TD), dtype=jnp.float32) * 0.05
    inp["bt"] = jnp.zeros((TD,), dtype=jnp.float32)
    inp["Wp1"] = jax.random.normal(ks[11], (2 * MD, ED), dtype=jnp.float32) * 0.05
    inp["bp1"] = jnp.zeros((ED,), dtype=jnp.float32)
    inp["Wp2"] = jax.random.normal(ks[12], (ED, ED), dtype=jnp.float32) * 0.05
    inp["bp2"] = jnp.zeros((ED,), dtype=jnp.float32)
    inp["Wl1"] = jax.random.normal(ks[13], (2 * ED, ED), dtype=jnp.float32) * 0.05
    inp["bl1"] = jnp.zeros((ED,), dtype=jnp.float32)
    inp["Wl2"] = jax.random.normal(ks[14], (ED, 1), dtype=jnp.float32) * 0.05
    inp["bl2"] = jnp.zeros((1,), dtype=jnp.float32)
    return inp

def reference(src_ids, dst_ids, src_features, dst_features, timestamps, edge_features,
              memory, last_update, Wn, bn, We, be, Wt, bt, Wp1, bp1, Wp2, bp2, Wl1, bl1, Wl2, bl2):
    def compute_embeddings(ids, feats, ts):
        ids = jnp.clip(ids, 0, N - 1)
        mem = memory[ids]                       # gather from [N, MD] table
        last = last_update[ids]                 # gather from [N]
        dt = jnp.clip(ts - last, 0.0)
        score = jnp.exp(-DECAY * dt)
        decayed = mem * score[:, None]          # get_memory decay
        node_emb = feats @ Wn + bn
        time_feat = ts[:, None] @ Wt + bt       # time encoder (computed, unused downstream in torch code)
        attended = decayed * score[:, None]     # temporal_attention applied on decayed memory
        combined = jnp.concatenate([attended, node_emb], axis=1)
        h = jax.nn.relu(combined @ Wp1 + bp1)
        emb = h @ Wp2 + bp2
        return emb, score, dt, time_feat
    src_emb, src_score, src_age, _ = compute_embeddings(src_ids, src_features, timestamps)
    dst_emb, dst_score, dst_age, _ = compute_embeddings(dst_ids, dst_features, timestamps)
    edge_emb = edge_features @ We + be          # edge embedding (message construction path)
    pair = jnp.concatenate([src_emb, dst_emb], axis=1)
    h = jax.nn.relu(pair @ Wl1 + bl1)
    link_prob = jax.nn.sigmoid(h @ Wl2 + bl2)
    return link_prob, src_emb, dst_emb

if __name__ == "__main__":
    import jax
    _d = setup_inputs()
    print(jax.jit(kernel)(*tuple(_d.values())))

</pallas_src>

<mosaic_0001>
#map = affine_map<(d0, d1) -> (0, 0)>
#map1 = affine_map<(d0, d1) -> (0)>
module attributes {stable_mosaic.version = 14 : i64} {
  func.func @_sc_gather_body(%arg0: i32, %arg1: i32, %arg2: memref<500000x128xf32, #tpu.memory_space<hbm>>, %arg3: memref<1000000xf32, #tpu.memory_space<hbm>>, %arg4: memref<128x128xi32, #tpu.memory_space<hbm>>, %arg5: memref<128x128xi32, #tpu.memory_space<hbm>>, %arg6: memref<128x128xi32, #tpu.memory_space<hbm>>, %arg7: memref<128x128xi32, #tpu.memory_space<hbm>>, %arg8: memref<16384x128xf32, #tpu.memory_space<hbm>>, %arg9: memref<16384x128xf32, #tpu.memory_space<hbm>>, %arg10: memref<128x128xf32, #tpu.memory_space<hbm>>, %arg11: memref<128x128xf32, #tpu.memory_space<hbm>>, %arg12: memref<4x128xi32, #tpu.memory_space<vmem>>, %arg13: memref<4x128xi32, #tpu.memory_space<vmem>>, %arg14: memref<4x128xi32, #tpu.memory_space<vmem>>, %arg15: memref<512x128xf32, #tpu.memory_space<vmem>>, %arg16: memref<4x128xf32, #tpu.memory_space<vmem>>, %arg17: memref<4x128xf32, #tpu.memory_space<vmem>>, %arg18: memref<!tpu.dma_semaphore, #tpu.memory_space<semaphore_mem>>) attributes {dimension_semantics = [#tpu.dimension_semantics<core_parallel>, #tpu.dimension_semantics<subcore_parallel>], iteration_bounds = array<i64: 2, 16>, scalar_prefetch = 0 : i64, scratch_operands = 7 : i64, tpu.core_type = #tpu.core_type<sc_vector_subcore>, window_params = [{transform_indices = #map}, {transform_indices = #map1}, {transform_indices = #map}, {transform_indices = #map}, {transform_indices = #map}, {transform_indices = #map}, {transform_indices = #map}, {transform_indices = #map}, {transform_indices = #map}, {transform_indices = #map}]} {
    %mul3A = arith.constant 2 : i32
    %mul3A_0 = arith.muli %arg1, %mul3A : i32
    %add3A = arith.addi %mul3A_0, %arg0 : i32
    %mul3A_1 = arith.constant 4 : i32
    %mul3A_2 = arith.muli %add3A, %mul3A_1 : i32
    %mul3A_3 = arith.constant 512 : i32
    %mul3A_4 = arith.muli %add3A, %mul3A_3 : i32
    "tpu.region"() ({
      %run_scoped3A = tpu.sem_alloc : memref<!tpu.dma_semaphore, #tpu.memory_space<semaphore_mem>>
      %dma_start3A_323 = arith.constant 0 : i32
      %dma_start3A_324 = tpu.memref_slice %arg6[%mul3A_2, %dma_start3A_323] : memref<128x128xi32, #tpu.memory_space<hbm>> -> memref<4x128xi32, #tpu.memory_space<hbm>>
      %dma_start3A_325 = arith.constant 0 : i32
      %dma_start3A_326 = tpu.memref_slice %arg6[%mul3A_2, %dma_start3A_325] : memref<128x128xi32, #tpu.memory_space<hbm>> -> memref<4x128xi32, #tpu.memory_space<hbm>>
      tpu.enqueue_dma source(%dma_start3A_326 : memref<4x128xi32, #tpu.memory_space<hbm>>) target(%arg13 : memref<4x128xi32, #tpu.memory_space<vmem>>) target_semaphore(%run_scoped3A : memref<!tpu.dma_semaphore, #tpu.memory_space<semaphore_mem>>)
      %dma_wait3A_327 = arith.constant 0 : i32
      %dma_wait3A_328 = tpu.memref_slice %arg6[%mul3A_2, %dma_wait3A_327] : memref<128x128xi32, #tpu.memory_space<hbm>> -> memref<4x128xi32, #tpu.memory_space<hbm>>
      %dma_wait3A_329 = arith.constant 0 : i32
      %dma_wait3A_330 = tpu.memref_slice %arg6[%mul3A_2, %dma_wait3A_329] : memref<128x128xi32, #tpu.memory_space<hbm>> -> memref<4x128xi32, #tpu.memory_space<hbm>>
      tpu.wait_dma2 semaphore(%run_scoped3A : memref<!tpu.dma_semaphore, #tpu.memory_space<semaphore_mem>>) src(%dma_wait3A_330 : memref<4x128xi32, #tpu.memory_space<hbm>>) dst(%arg13 : memref<4x128xi32, #tpu.memory_space<vmem>>)
      tpu.yield
    }) : () -> ()
    "tpu.region"() ({
      %run_scoped3A = tpu.sem_alloc : memref<!tpu.dma_semaphore, #tpu.memory_space<semaphore_mem>>
      %dma_start3A_323 = arith.constant 0 : i32
      %dma_start3A_324 = tpu.memref_slice %arg7[%mul3A_2, %dma_start3A_323] : memref<128x128xi32, #tpu.memory_space<hbm>> -> memref<4x128xi32, #tpu.memory_space<hbm>>
      %dma_start3A_325 = arith.constant 0 : i32
      %dma_start3A_326 = tpu.memref_slice %arg7[%mul3A_2, %dma_start3A_325] : memref<128x128xi32, #tpu.memory_space<hbm>> -> memref<4x128xi32, #tpu.memory_space<hbm>>
      tpu.enqueue_dma source(%dma_start3A_326 : memref<4x128xi32, #tpu.memory_space<hbm>>) target(%arg14 : memref<4x128xi32, #tpu.memory_space<vmem>>) target_semaphore(%run_scoped3A : memref<!tpu.dma_semaphore, #tpu.memory_space<semaphore_mem>>)
      %dma_wait3A_327 = arith.constant 0 : i32
      %dma_wait3A_328 = tpu.memref_slice %arg7[%mul3A_2, %dma_wait3A_327] : memref<128x128xi32, #tpu.memory_space<hbm>> -> memref<4x128xi32, #tpu.memory_space<hbm>>
      %dma_wait3A_329 = arith.constant 0 : i32
      %dma_wait3A_330 = tpu.memref_slice %arg7[%mul3A_2, %dma_wait3A_329] : memref<128x128xi32, #tpu.memory_space<hbm>> -> memref<4x128xi32, #tpu.memory_space<hbm>>
      tpu.wait_dma2 semaphore(%run_scoped3A : memref<!tpu.dma_semaphore, #tpu.memory_space<semaphore_mem>>) src(%dma_wait3A_330 : memref<4x128xi32, #tpu.memory_space<hbm>>) dst(%arg14 : memref<4x128xi32, #tpu.memory_space<vmem>>)
      tpu.yield
    }) : () -> ()
    %dma_start3A = arith.constant 0 : i32
    %dma_start3A_5 = arith.constant 0 : i32
    %dma_start3A_6 = arith.constant 0 : i32
    %dma_start3A_7 = tpu.memref_slice %arg16[%dma_start3A_5, %dma_start3A_6] : memref<4x128xf32, #tpu.memory_space<vmem>> -> memref<1x128xf32, #tpu.memory_space<vmem>>
    %dma_start3A_8 = tpu.memref_squeeze %dma_start3A_7 : memref<1x128xf32, #tpu.memory_space<vmem>> -> memref<128xf32, #tpu.memory_space<vmem>>
    %dma_start3A_9 = arith.constant 0 : i32
    %dma_start3A_10 = tpu.memref_slice %arg13[%dma_start3A, %dma_start3A_9] : memref<4x128xi32, #tpu.memory_space<vmem>> -> memref<1x128xi32, #tpu.memory_space<vmem>>
    %dma_start3A_11 = tpu.memref_squeeze %dma_start3A_10 : memref<1x128xi32, #tpu.memory_space<vmem>> -> memref<128xi32, #tpu.memory_space<vmem>>
    %dma_start3A_12 = arith.constant 0 : i32
    %dma_start3A_13 = tpu.memref_slice %arg3[%dma_start3A_12] : memref<1000000xf32, #tpu.memory_space<hbm>> -> memref<1000000xf32, #tpu.memory_space<hbm>>
    tpu.enqueue_indirect_dma source(%dma_start3A_13 : memref<1000000xf32, #tpu.memory_space<hbm>>) target(%dma_start3A_8 : memref<128xf32, #tpu.memory_space<vmem>>) offsets(%dma_start3A_11 : memref<128xi32, #tpu.memory_space<vmem>>) semaphore(%arg18 : memref<!tpu.dma_semaphore, #tpu.memory_space<semaphore_mem>>)
    %dma_start3A_14 = arith.constant 0 : i32
    %dma_start3A_15 = arith.constant 0 : i32
    %dma_start3A_16 = arith.constant 0 : i32
    %dma_start3A_17 = tpu.memref_slice %arg17[%dma_start3A_15, %dma_start3A_16] : memref<4x128xf32, #tpu.memory_space<vmem>> -> memref<1x128xf32, #tpu.memory_space<vmem>>
    %dma_start3A_18 = tpu.memref_squeeze %dma_start3A_17 : memref<1x128xf32, #tpu.memory_space<vmem>> -> memref<128xf32, #tpu.memory_space<vmem>>
    %dma_start3A_19 = arith.constant 0 : i32
    %dma_start3A_20 = tpu.memref_slice %arg14[%dma_start3A_14, %dma_start3A_19] : memref<4x128xi32, #tpu.memory_space<vmem>> -> memref<1x128xi32, #tpu.memory_space<vmem>>
    %dma_start3A_21 = tpu.memref_squeeze %dma_start3A_20 : memref<1x128xi32, #tpu.memory_space<vmem>> -> memref<128xi32, #tpu.memory_space<vmem>>
    %dma_start3A_22 = arith.constant 0 : i32
    %dma_start3A_23 = tpu.memref_slice %arg3[%dma_start3A_22] : memref<1000000xf32, #tpu.memory_space<hbm>> -> memref<1000000xf32, #tpu.memory_space<hbm>>
    tpu.enqueue_indirect_dma source(%dma_start3A_23 : memref<1000000xf32, #tpu.memory_space<hbm>>) target(%dma_start3A_18 : memref<128xf32, #tpu.memory_space<vmem>>) offsets(%dma_start3A_21 : memref<128xi32, #tpu.memory_space<vmem>>) semaphore(%arg18 : memref<!tpu.dma_semaphore, #tpu.memory_space<semaphore_mem>>)
    %dma_start3A_24 = arith.constant 1 : i32
    %dma_start3A_25 = arith.constant 1 : i32
    %dma_start3A_26 = arith.constant 0 : i32
    %dma_start3A_27 = tpu.memref_slice %arg16[%dma_start3A_25, %dma_start3A_26] : memref<4x128xf32, #tpu.memory_space<vmem>> -> memref<1x128xf32, #tpu.memory_space<vmem>>
    %dma_start3A_28 = tpu.memref_squeeze %dma_start3A_27 : memref<1x128xf32, #tpu.memory_space<vmem>> -> memref<128xf32, #tpu.memory_space<vmem>>
    %dma_start3A_29 = arith.constant 0 : i32
    %dma_start3A_30 = tpu.memref_slice %arg13[%dma_start3A_24, %dma_start3A_29] : memref<4x128xi32, #tpu.memory_space<vmem>> -> memref<1x128xi32, #tpu.memory_space<vmem>>
    %dma_start3A_31 = tpu.memref_squeeze %dma_start3A_30 : memref<1x128xi32, #tpu.memory_space<vmem>> -> memref<128xi32, #tpu.memory_space<vmem>>
    %dma_start3A_32 = arith.constant 0 : i32
    %dma_start3A_33 = tpu.memref_slice %arg3[%dma_start3A_32] : memref<1000000xf32, #tpu.memory_space<hbm>> -> memref<1000000xf32, #tpu.memory_space<hbm>>
    tpu.enqueue_indirect_dma source(%dma_start3A_33 : memref<1000000xf32, #tpu.memory_space<hbm>>) target(%dma_start3A_28 : memref<128xf32, #tpu.memory_space<vmem>>) offsets(%dma_start3A_31 : memref<128xi32, #tpu.memory_space<vmem>>) semaphore(%arg18 : memref<!tpu.dma_semaphore, #tpu.memory_space<semaphore_mem>>)
    %dma_start3A_34 = arith.constant 1 : i32
    %dma_start3A_35 = arith.constant 1 : i32
    %dma_start3A_36 = arith.constant 0 : i32
    %dma_start3A_37 = tpu.memref_slice %arg17[%dma_start3A_35, %dma_start3A_36] : memref<4x128xf32, #tpu.memory_space<vmem>> -> memref<1x128xf32, #tpu.memory_space<vmem>>
    %dma_start3A_38 = tpu.memref_squeeze %dma_start3A_37 : memref<1x128xf32, #tpu.memory_space<vmem>> -> memref<128xf32, #tpu.memory_space<vmem>>
    %dma_start3A_39 = arith.constant 0 : i32
    %dma_start3A_40 = tpu.memref_slice %arg14[%dma_start3A_34, %dma_start3A_39] : memref<4x128xi32, #tpu.memory_space<vmem>> -> memref<1x128xi32, #tpu.memory_space<vmem>>
    %dma_start3A_41 = tpu.memref_squeeze %dma_start3A_40 : memref<1x128xi32, #tpu.memory_space<vmem>> -> memref<128xi32, #tpu.memory_space<vmem>>
    %dma_start3A_42 = arith.constant 0 : i32
    %dma_start3A_43 = tpu.memref_slice %arg3[%dma_start3A_42] : memref<1000000xf32, #tpu.memory_space<hbm>> -> memref<1000000xf32, #tpu.memory_space<hbm>>
    tpu.enqueue_indirect_dma source(%dma_start3A_43 : memref<1000000xf32, #tpu.memory_space<hbm>>) target(%dma_start3A_38 : memref<128xf32, #tpu.memory_space<vmem>>) offsets(%dma_start3A_41 : memref<128xi32, #tpu.memory_space<vmem>>) semaphore(%arg18 : memref<!tpu.dma_semaphore, #tpu.memory_space<semaphore_mem>>)
    %dma_start3A_44 = arith.constant 2 : i32
    %dma_start3A_45 = arith.constant 2 : i32
    %dma_start3A_46 = arith.constant 0 : i32
    %dma_start3A_47 = tpu.memref_slice %arg16[%dma_start3A_45, %dma_start3A_46] : memref<4x128xf32, #tpu.memory_space<vmem>> -> memref<1x128xf32, #tpu.memory_space<vmem>>
    %dma_start3A_48 = tpu.memref_squeeze %dma_start3A_47 : memref<1x128xf32, #tpu.memory_space<vmem>> -> memref<128xf32, #tpu.memory_space<vmem>>
    %dma_start3A_49 = arith.constant 0 : i32
    %dma_start3A_50 = tpu.memref_slice %arg13[%dma_start3A_44, %dma_start3A_49] : memref<4x128xi32, #tpu.memory_space<vmem>> -> memref<1x128xi32, #tpu.memory_space<vmem>>
    %dma_start3A_51 = tpu.memref_squeeze %dma_start3A_50 : memref<1x128xi32, #tpu.memory_space<vmem>> -> memref<128xi32, #tpu.memory_space<vmem>>
    %dma_start3A_52 = arith.constant 0 : i32
    %dma_start3A_53 = tpu.memref_slice %arg3[%dma_start3A_52] : memref<1000000xf32, #tpu.memory_space<hbm>> -> memref<1000000xf32, #tpu.memory_space<hbm>>
    tpu.enqueue_indirect_dma source(%dma_start3A_53 : memref<1000000xf32, #tpu.memory_space<hbm>>) target(%dma_start3A_48 : memref<128xf32, #tpu.memory_space<vmem>>) offsets(%dma_start3A_51 : memref<128xi32, #tpu.memory_space<vmem>>) semaphore(%arg18 : memref<!tpu.dma_semaphore, #tpu.memory_space<semaphore_mem>>)
    %dma_start3A_54 = arith.constant 2 : i32
    %dma_start3A_55 = arith.constant 2 : i32
    %dma_start3A_56 = arith.constant 0 : i32
    %dma_start3A_57 = tpu.memref_slice %arg17[%dma_start3A_55, %dma_start3A_56] : memref<4x128xf32, #tpu.memory_space<vmem>> -> memref<1x128xf32, #tpu.memory_space<vmem>>
    %dma_start3A_58 = tpu.memref_squeeze %dma_start3A_57 : memref<1x128xf32, #tpu.memory_space<vmem>> -> memref<128xf32, #tpu.memory_space<vmem>>
    %dma_start3A_59 = arith.constant 0 : i32
    %dma_start3A_60 = tpu.memref_slice %arg14[%dma_start3A_54, %dma_start3A_59] : memref<4x128xi32, #tpu.memory_space<vmem>> -> memref<1x128xi32, #tpu.memory_space<vmem>>
    %dma_start3A_61 = tpu.memref_squeeze %dma_start3A_60 : memref<1x128xi32, #tpu.memory_space<vmem>> -> memref<128xi32, #tpu.memory_space<vmem>>
    %dma_start3A_62 = arith.constant 0 : i32
    %dma_start3A_63 = tpu.memref_slice %arg3[%dma_start3A_62] : memref<1000000xf32, #tpu.memory_space<hbm>> -> memref<1000000xf32, #tpu.memory_space<hbm>>
    tpu.enqueue_indirect_dma source(%dma_start3A_63 : memref<1000000xf32, #tpu.memory_space<hbm>>) target(%dma_start3A_58 : memref<128xf32, #tpu.memory_space<vmem>>) offsets(%dma_start3A_61 : memref<128xi32, #tpu.memory_space<vmem>>) semaphore(%arg18 : memref<!tpu.dma_semaphore, #tpu.memory_space<semaphore_mem>>)
    %dma_start3A_64 = arith.constant 3 : i32
    %dma_start3A_65 = arith.constant 3 : i32
    %dma_start3A_66 = arith.constant 0 : i32
    %dma_start3A_67 = tpu.memref_slice %arg16[%dma_start3A_65, %dma_start3A_66] : memref<4x128xf32, #tpu.memory_space<vmem>> -> memref<1x128xf32, #tpu.memory_space<vmem>>
    %dma_start3A_68 = tpu.memref_squeeze %dma_start3A_67 : memref<1x128xf32, #tpu.memory_space<vmem>> -> memref<128xf32, #tpu.memory_space<vmem>>
    %dma_start3A_69 = arith.constant 0 : i32
    %dma_start3A_70 = tpu.memref_slice %arg13[%dma_start3A_64, %dma_start3A_69] : memref<4x128xi32, #tpu.memory_space<vmem>> -> memref<1x128xi32, #tpu.memory_space<vmem>>
    %dma_start3A_71 = tpu.memref_squeeze %dma_start3A_70 : memref<1x128xi32, #tpu.memory_space<vmem>> -> memref<128xi32, #tpu.memory_space<vmem>>
    %dma_start3A_72 = arith.constant 0 : i32
    %dma_start3A_73 = tpu.memref_slice %arg3[%dma_start3A_72] : memref<1000000xf32, #tpu.memory_space<hbm>> -> memref<1000000xf32, #tpu.memory_space<hbm>>
    tpu.enqueue_indirect_dma source(%dma_start3A_73 : memref<1000000xf32, #tpu.memory_space<hbm>>) target(%dma_start3A_68 : memref<128xf32, #tpu.memory_space<vmem>>) offsets(%dma_start3A_71 : memref<128xi32, #tpu.memory_space<vmem>>) semaphore(%arg18 : memref<!tpu.dma_semaphore, #tpu.memory_space<semaphore_mem>>)
    %dma_start3A_74 = arith.constant 3 : i32
    %dma_start3A_75 = arith.constant 3 : i32
    %dma_start3A_76 = arith.constant 0 : i32
    %dma_start3A_77 = tpu.memref_slice %arg17[%dma_start3A_75, %dma_start3A_76] : memref<4x128xf32, #tpu.memory_space<vmem>> -> memref<1x128xf32, #tpu.memory_space<vmem>>
    %dma_start3A_78 = tpu.memref_squeeze %dma_start3A_77 : memref<1x128xf32, #tpu.memory_space<vmem>> -> memref<128xf32, #tpu.memory_space<vmem>>
    %dma_start3A_79 = arith.constant 0 : i32
    %dma_start3A_80 = tpu.memref_slice %arg14[%dma_start3A_74, %dma_start3A_79] : memref<4x128xi32, #tpu.memory_space<vmem>> -> memref<1x128xi32, #tpu.memory_space<vmem>>
    %dma_start3A_81 = tpu.memref_squeeze %dma_start3A_80 : memref<1x128xi32, #tpu.memory_space<vmem>> -> memref<128xi32, #tpu.memory_space<vmem>>
    %dma_start3A_82 = arith.constant 0 : i32
    %dma_start3A_83 = tpu.memref_slice %arg3[%dma_start3A_82] : memref<1000000xf32, #tpu.memory_space<hbm>> -> memref<1000000xf32, #tpu.memory_space<hbm>>
    tpu.enqueue_indirect_dma source(%dma_start3A_83 : memref<1000000xf32, #tpu.memory_space<hbm>>) target(%dma_start3A_78 : memref<128xf32, #tpu.memory_space<vmem>>) offsets(%dma_start3A_81 : memref<128xi32, #tpu.memory_space<vmem>>) semaphore(%arg18 : memref<!tpu.dma_semaphore, #tpu.memory_space<semaphore_mem>>)
    "tpu.region"() ({
      %run_scoped3A = tpu.sem_alloc : memref<!tpu.dma_semaphore, #tpu.memory_space<semaphore_mem>>
      %dma_start3A_323 = arith.constant 0 : i32
      %dma_start3A_324 = tpu.memref_slice %arg4[%mul3A_2, %dma_start3A_323] : memref<128x128xi32, #tpu.memory_space<hbm>> -> memref<4x128xi32, #tpu.memory_space<hbm>>
      %dma_start3A_325 = arith.constant 0 : i32
      %dma_start3A_326 = tpu.memref_slice %arg4[%mul3A_2, %dma_start3A_325] : memref<128x128xi32, #tpu.memory_space<hbm>> -> memref<4x128xi32, #tpu.memory_space<hbm>>
      tpu.enqueue_dma source(%dma_start3A_326 : memref<4x128xi32, #tpu.memory_space<hbm>>) target(%arg12 : memref<4x128xi32, #tpu.memory_space<vmem>>) target_semaphore(%run_scoped3A : memref<!tpu.dma_semaphore, #tpu.memory_space<semaphore_mem>>)
      %dma_wait3A_327 = arith.constant 0 : i32
      %dma_wait3A_328 = tpu.memref_slice %arg4[%mul3A_2, %dma_wait3A_327] : memref<128x128xi32, #tpu.memory_space<hbm>> -> memref<4x128xi32, #tpu.memory_space<hbm>>
      %dma_wait3A_329 = arith.constant 0 : i32
      %dma_wait3A_330 = tpu.memref_slice %arg4[%mul3A_2, %dma_wait3A_329] : memref<128x128xi32, #tpu.memory_space<hbm>> -> memref<4x128xi32, #tpu.memory_space<hbm>>
      tpu.wait_dma2 semaphore(%run_scoped3A : memref<!tpu.dma_semaphore, #tpu.memory_space<semaphore_mem>>) src(%dma_wait3A_330 : memref<4x128xi32, #tpu.memory_space<hbm>>) dst(%arg12 : memref<4x128xi32, #tpu.memory_space<vmem>>)
      tpu.yield
    }) : () -> ()
    %dma_start3A_84 = arith.constant 0 : i32
    %dma_start3A_85 = arith.constant 0 : i32
    %dma_start3A_86 = arith.constant 0 : i32
    %dma_start3A_87 = tpu.memref_slice %arg15[%dma_start3A_85, %dma_start3A_86] : memref<512x128xf32, #tpu.memory_space<vmem>> -> memref<128x128xf32, #tpu.memory_space<vmem>>
    %dma_start3A_88 = arith.constant 0 : i32
    %dma_start3A_89 = tpu.memref_slice %arg12[%dma_start3A_84, %dma_start3A_88] : memref<4x128xi32, #tpu.memory_space<vmem>> -> memref<1x128xi32, #tpu.memory_space<vmem>>
    %dma_start3A_90 = tpu.memref_squeeze %dma_start3A_89 : memref<1x128xi32, #tpu.memory_space<vmem>> -> memref<128xi32, #tpu.memory_space<vmem>>
    %dma_start3A_91 = arith.constant 0 : i32
    %dma_start3A_92 = arith.constant 0 : i32
    %dma_start3A_93 = tpu.memref_slice %arg2[%dma_start3A_91, %dma_start3A_92] : memref<500000x128xf32, #tpu.memory_space<hbm>> -> memref<500000x128xf32, #tpu.memory_space<hbm>>
    tpu.enqueue_indirect_dma source(%dma_start3A_93 : memref<500000x128xf32, #tpu.memory_space<hbm>>) target(%dma_start3A_87 : memref<128x128xf32, #tpu.memory_space<vmem>>) offsets(%dma_start3A_90 : memref<128xi32, #tpu.memory_space<vmem>>) semaphore(%arg18 : memref<!tpu.dma_semaphore, #tpu.memory_space<semaphore_mem>>)
    %dma_start3A_94 = arith.constant 1 : i32
    %dma_start3A_95 = arith.constant 128 : i32
    %dma_start3A_96 = arith.constant 0 : i32
    %dma_start3A_97 = tpu.memref_slice %arg15[%dma_start3A_95, %dma_start3A_96] : memref<512x128xf32, #tpu.memory_space<vmem>> -> memref<128x128xf32, #tpu.memory_space<vmem>>
    %dma_start3A_98 = arith.constant 0 : i32
    %dma_start3A_99 = tpu.memref_slice %arg12[%dma_start3A_94, %dma_start3A_98] : memref<4x128xi32, #tpu.memory_space<vmem>> -> memref<1x128xi32, #tpu.memory_space<vmem>>
    %dma_start3A_100 = tpu.memref_squeeze %dma_start3A_99 : memref<1x128xi32, #tpu.memory_space<vmem>> -> memref<128xi32, #tpu.memory_space<vmem>>
    %dma_start3A_101 = arith.constant 0 : i32
    %dma_start3A_102 = arith.constant 0 : i32
    %dma_start3A_103 = tpu.memref_slice %arg2[%dma_start3A_101, %dma_start3A_102] : memref<500000x128xf32, #tpu.memory_space<hbm>> -> memref<500000x128xf32, #tpu.memory_space<hbm>>
    tpu.enqueue_indirect_dma source(%dma_start3A_103 : memref<500000x128xf32, #tpu.memory_space<hbm>>) target(%dma_start3A_97 : memref<128x128xf32, #tpu.memory_space<vmem>>) offsets(%dma_start3A_100 : memref<128xi32, #tpu.memory_space<vmem>>) semaphore(%arg18 : memref<!tpu.dma_semaphore, #tpu.memory_space<semaphore_mem>>)
    %dma_start3A_104 = arith.constant 2 : i32
    %dma_start3A_105 = arith.constant 256 : i32
    %dma_start3A_106 = arith.constant 0 : i32
    %dma_start3A_107 = tpu.memref_slice %arg15[%dma_start3A_105, %dma_start3A_106] : memref<512x128xf32, #tpu.memory_space<vmem>> -> memref<128x128xf32, #tpu.memory_space<vmem>>
    %dma_start3A_108 = arith.constant 0 : i32
    %dma_start3A_109 = tpu.memref_slice %arg12[%dma_start3A_104, %dma_start3A_108] : memref<4x128xi32, #tpu.memory_space<vmem>> -> memref<1x128xi32, #tpu.memory_space<vmem>>
    %dma_start3A_110 = tpu.memref_squeeze %dma_start3A_109 : memref<1x128xi32, #tpu.memory_space<vmem>> -> memref<128xi32, #tpu.memory_space<vmem>>
    %dma_start3A_111 = arith.constant 0 : i32
    %dma_start3A_112 = arith.constant 0 : i32
    %dma_start3A_113 = tpu.memref_slice %arg2[%dma_start3A_111, %dma_start3A_112] : memref<500000x128xf32, #tpu.memory_space<hbm>> -> memref<500000x128xf32, #tpu.memory_space<hbm>>
    tpu.enqueue_indirect_dma source(%dma_start3A_113 : memref<500000x128xf32, #tpu.memory_space<hbm>>) target(%dma_start3A_107 : memref<128x128xf32, #tpu.memory_space<vmem>>) offsets(%dma_start3A_110 : memref<128xi32, #tpu.memory_space<vmem>>) semaphore(%arg18 : memref<!tpu.dma_semaphore, #tpu.memory_space<semaphore_mem>>)
    %dma_start3A_114 = arith.constant 3 : i32
    %dma_start3A_115 = arith.constant 384 : i32
    %dma_start3A_116 = arith.constant 0 : i32
    %dma_start3A_117 = tpu.memref_slice %arg15[%dma_start3A_115, %dma_start3A_116] : memref<512x128xf32, #tpu.memory_space<vmem>> -> memref<128x128xf32, #tpu.memory_space<vmem>>
    %dma_start3A_118 = arith.constant 0 : i32
    %dma_start3A_119 = tpu.memref_slice %arg12[%dma_start3A_114, %dma_start3A_118] : memref<4x128xi32, #tpu.memory_space<vmem>> -> memref<1x128xi32, #tpu.memory_space<vmem>>
    %dma_start3A_120 = tpu.memref_squeeze %dma_start3A_119 : memref<1x128xi32, #tpu.memory_space<vmem>> -> memref<128xi32, #tpu.memory_space<vmem>>
    %dma_start3A_121 = arith.constant 0 : i32
    %dma_start3A_122 = arith.constant 0 : i32
    %dma_start3A_123 = tpu.memref_slice %arg2[%dma_start3A_121, %dma_start3A_122] : memref<500000x128xf32, #tpu.memory_space<hbm>> -> memref<500000x128xf32, #tpu.memory_space<hbm>>
    tpu.enqueue_indirect_dma source(%dma_start3A_123 : memref<500000x128xf32, #tpu.memory_space<hbm>>) target(%dma_start3A_117 : memref<128x128xf32, #tpu.memory_space<vmem>>) offsets(%dma_start3A_120 : memref<128xi32, #tpu.memory_space<vmem>>) semaphore(%arg18 : memref<!tpu.dma_semaphore, #tpu.memory_space<semaphore_mem>>)
    %dma_wait3A = arith.constant 0 : i32
    %dma_wait3A_124 = arith.constant 0 : i32
    %dma_wait3A_125 = arith.constant 0 : i32
    %dma_wait3A_126 = tpu.memref_slice %arg15[%dma_wait3A_124, %dma_wait3A_125] : memref<512x128xf32, #tpu.memory_space<vmem>> -> memref<128x128xf32, #tpu.memory_space<vmem>>
    %dma_wait3A_127 = arith.constant 0 : i32
    %dma_wait3A_128 = tpu.memref_slice %arg12[%dma_wait3A, %dma_wait3A_127] : memref<4x128xi32, #tpu.memory_space<vmem>> -> memref<1x128xi32, #tpu.memory_space<vmem>>
    %dma_wait3A_129 = tpu.memref_squeeze %dma_wait3A_128 : memref<1x128xi32, #tpu.memory_space<vmem>> -> memref<128xi32, #tpu.memory_space<vmem>>
    %dma_wait3A_130 = arith.constant 0 : i32
    %dma_wait3A_131 = arith.constant 0 : i32
    %dma_wait3A_132 = tpu.memref_slice %arg2[%dma_wait3A_130, %dma_wait3A_131] : memref<500000x128xf32, #tpu.memory_space<hbm>> -> memref<500000x128xf32, #tpu.memory_space<hbm>>
    tpu.wait_indirect_dma semaphore(%arg18 : memref<!tpu.dma_semaphore, #tpu.memory_space<semaphore_mem>>) src(%dma_wait3A_132 : memref<500000x128xf32, #tpu.memory_space<hbm>>) dst(%dma_wait3A_126 : memref<128x128xf32, #tpu.memory_space<vmem>>)
    %dma_wait3A_133 = arith.constant 1 : i32
    %dma_wait3A_134 = arith.constant 128 : i32
    %dma_wait3A_135 = arith.constant 0 : i32
    %dma_wait3A_136 = tpu.memref_slice %arg15[%dma_wait3A_134, %dma_wait3A_135] : memref<512x128xf32, #tpu.memory_space<vmem>> -> memref<128x128xf32, #tpu.memory_space<vmem>>
    %dma_wait3A_137 = arith.constant 0 : i32
    %dma_wait3A_138 = tpu.memref_slice %arg12[%dma_wait3A_133, %dma_wait3A_137] : memref<4x128xi32, #tpu.memory_space<vmem>> -> memref<1x128xi32, #tpu.memory_space<vmem>>
    %dma_wait3A_139 = tpu.memref_squeeze %dma_wait3A_138 : memref<1x128xi32, #tpu.memory_space<vmem>> -> memref<128xi32, #tpu.memory_space<vmem>>
    %dma_wait3A_140 = arith.constant 0 : i32
    %dma_wait3A_141 = arith.constant 0 : i32
    %dma_wait3A_142 = tpu.memref_slice %arg2[%dma_wait3A_140, %dma_wait3A_141] : memref<500000x128xf32, #tpu.memory_space<hbm>> -> memref<500000x128xf32, #tpu.memory_space<hbm>>
    tpu.wait_indirect_dma semaphore(%arg18 : memref<!tpu.dma_semaphore, #tpu.memory_space<semaphore_mem>>) src(%dma_wait3A_142 : memref<500000x128xf32, #tpu.memory_space<hbm>>) dst(%dma_wait3A_136 : memref<128x128xf32, #tpu.memory_space<vmem>>)
    %dma_wait3A_143 = arith.constant 2 : i32
    %dma_wait3A_144 = arith.constant 256 : i32
    %dma_wait3A_145 = arith.constant 0 : i32
    %dma_wait3A_146 = tpu.memref_slice %arg15[%dma_wait3A_144, %dma_wait3A_145] : memref<512x128xf32, #tpu.memory_space<vmem>> -> memref<128x128xf32, #tpu.memory_space<vmem>>
    %dma_wait3A_147 = arith.constant 0 : i32
    %dma_wait3A_148 = tpu.memref_slice %arg12[%dma_wait3A_143, %dma_wait3A_147] : memref<4x128xi32, #tpu.memory_space<vmem>> -> memref<1x128xi32, #tpu.memory_space<vmem>>
    %dma_wait3A_149 = tpu.memref_squeeze %dma_wait3A_148 : memref<1x128xi32, #tpu.memory_space<vmem>> -> memref<128xi32, #tpu.memory_space<vmem>>
    %dma_wait3A_150 = arith.constant 0 : i32
    %dma_wait3A_151 = arith.constant 0 : i32
    %dma_wait3A_152 = tpu.memref_slice %arg2[%dma_wait3A_150, %dma_wait3A_151] : memref<500000x128xf32, #tpu.memory_space<hbm>> -> memref<500000x128xf32, #tpu.memory_space<hbm>>
    tpu.wait_indirect_dma semaphore(%arg18 : memref<!tpu.dma_semaphore, #tpu.memory_space<semaphore_mem>>) src(%dma_wait3A_152 : memref<500000x128xf32, #tpu.memory_space<hbm>>) dst(%dma_wait3A_146 : memref<128x128xf32, #tpu.memory_space<vmem>>)
    %dma_wait3A_153 = arith.constant 3 : i32
    %dma_wait3A_154 = arith.constant 384 : i32
    %dma_wait3A_155 = arith.constant 0 : i32
    %dma_wait3A_156 = tpu.memref_slice %arg15[%dma_wait3A_154, %dma_wait3A_155] : memref<512x128xf32, #tpu.memory_space<vmem>> -> memref<128x128xf32, #tpu.memory_space<vmem>>
    %dma_wait3A_157 = arith.constant 0 : i32
    %dma_wait3A_158 = tpu.memref_slice %arg12[%dma_wait3A_153, %dma_wait3A_157] : memref<4x128xi32, #tpu.memory_space<vmem>> -> memref<1x128xi32, #tpu.memory_space<vmem>>
    %dma_wait3A_159 = tpu.memref_squeeze %dma_wait3A_158 : memref<1x128xi32, #tpu.memory_space<vmem>> -> memref<128xi32, #tpu.memory_space<vmem>>
    %dma_wait3A_160 = arith.constant 0 : i32
    %dma_wait3A_161 = arith.constant 0 : i32
    %dma_wait3A_162 = tpu.memref_slice %arg2[%dma_wait3A_160, %dma_wait3A_161] : memref<500000x128xf32, #tpu.memory_space<hbm>> -> memref<500000x128xf32, #tpu.memory_space<hbm>>
    tpu.wait_indirect_dma semaphore(%arg18 : memref<!tpu.dma_semaphore, #tpu.memory_space<semaphore_mem>>) src(%dma_wait3A_162 : memref<500000x128xf32, #tpu.memory_space<hbm>>) dst(%dma_wait3A_156 : memref<128x128xf32, #tpu.memory_space<vmem>>)
    "tpu.region"() ({
      %run_scoped3A = tpu.sem_alloc : memref<!tpu.dma_semaphore, #tpu.memory_space<semaphore_mem>>
      %dma_start3A_323 = arith.constant 0 : i32
      %dma_start3A_324 = tpu.memref_slice %arg8[%mul3A_4, %dma_start3A_323] : memref<16384x128xf32, #tpu.memory_space<hbm>> -> memref<512x128xf32, #tpu.memory_space<hbm>>
      %dma_start3A_325 = arith.constant 0 : i32
      %dma_start3A_326 = tpu.memref_slice %arg8[%mul3A_4, %dma_start3A_325] : memref<16384x128xf32, #tpu.memory_space<hbm>> -> memref<512x128xf32, #tpu.memory_space<hbm>>
      tpu.enqueue_dma source(%arg15 : memref<512x128xf32, #tpu.memory_space<vmem>>) target(%dma_start3A_326 : memref<512x128xf32, #tpu.memory_space<hbm>>) target_semaphore(%run_scoped3A : memref<!tpu.dma_semaphore, #tpu.memory_space<semaphore_mem>>)
      %dma_wait3A_327 = arith.constant 0 : i32
      %dma_wait3A_328 = tpu.memref_slice %arg8[%mul3A_4, %dma_wait3A_327] : memref<16384x128xf32, #tpu.memory_space<hbm>> -> memref<512x128xf32, #tpu.memory_space<hbm>>
      %dma_wait3A_329 = arith.constant 0 : i32
      %dma_wait3A_330 = tpu.memref_slice %arg8[%mul3A_4, %dma_wait3A_329] : memref<16384x128xf32, #tpu.memory_space<hbm>> -> memref<512x128xf32, #tpu.memory_space<hbm>>
      tpu.wait_dma2 semaphore(%run_scoped3A : memref<!tpu.dma_semaphore, #tpu.memory_space<semaphore_mem>>) src(%arg15 : memref<512x128xf32, #tpu.memory_space<vmem>>) dst(%dma_wait3A_330 : memref<512x128xf32, #tpu.memory_space<hbm>>)
      tpu.yield
    }) : () -> ()
    "tpu.region"() ({
      %run_scoped3A = tpu.sem_alloc : memref<!tpu.dma_semaphore, #tpu.memory_space<semaphore_mem>>
      %dma_start3A_323 = arith.constant 0 : i32
      %dma_start3A_324 = tpu.memref_slice %arg5[%mul3A_2, %dma_start3A_323] : memref<128x128xi32, #tpu.memory_space<hbm>> -> memref<4x128xi32, #tpu.memory_space<hbm>>
      %dma_start3A_325 = arith.constant 0 : i32
      %dma_start3A_326 = tpu.memref_slice %arg5[%mul3A_2, %dma_start3A_325] : memref<128x128xi32, #tpu.memory_space<hbm>> -> memref<4x128xi32, #tpu.memory_space<hbm>>
      tpu.enqueue_dma source(%dma_start3A_326 : memref<4x128xi32, #tpu.memory_space<hbm>>) target(%arg12 : memref<4x128xi32, #tpu.memory_space<vmem>>) target_semaphore(%run_scoped3A : memref<!tpu.dma_semaphore, #tpu.memory_space<semaphore_mem>>)
      %dma_wait3A_327 = arith.constant 0 : i32
      %dma_wait3A_328 = tpu.memref_slice %arg5[%mul3A_2, %dma_wait3A_327] : memref<128x128xi32, #tpu.memory_space<hbm>> -> memref<4x128xi32, #tpu.memory_space<hbm>>
      %dma_wait3A_329 = arith.constant 0 : i32
      %dma_wait3A_330 = tpu.memref_slice %arg5[%mul3A_2, %dma_wait3A_329] : memref<128x128xi32, #tpu.memory_space<hbm>> -> memref<4x128xi32, #tpu.memory_space<hbm>>
      tpu.wait_dma2 semaphore(%run_scoped3A : memref<!tpu.dma_semaphore, #tpu.memory_space<semaphore_mem>>) src(%dma_wait3A_330 : memref<4x128xi32, #tpu.memory_space<hbm>>) dst(%arg12 : memref<4x128xi32, #tpu.memory_space<vmem>>)
      tpu.yield
    }) : () -> ()
    %dma_start3A_163 = arith.constant 0 : i32
    %dma_start3A_164 = arith.constant 0 : i32
    %dma_start3A_165 = arith.constant 0 : i32
    %dma_start3A_166 = tpu.memref_slice %arg15[%dma_start3A_164, %dma_start3A_165] : memref<512x128xf32, #tpu.memory_space<vmem>> -> memref<128x128xf32, #tpu.memory_space<vmem>>
    %dma_start3A_167 = arith.constant 0 : i32
    %dma_start3A_168 = tpu.memref_slice %arg12[%dma_start3A_163, %dma_start3A_167] : memref<4x128xi32, #tpu.memory_space<vmem>> -> memref<1x128xi32, #tpu.memory_space<vmem>>
    %dma_start3A_169 = tpu.memref_squeeze %dma_start3A_168 : memref<1x128xi32, #tpu.memory_space<vmem>> -> memref<128xi32, #tpu.memory_space<vmem>>
    %dma_start3A_170 = arith.constant 0 : i32
    %dma_start3A_171 = arith.constant 0 : i32
    %dma_start3A_172 = tpu.memref_slice %arg2[%dma_start3A_170, %dma_start3A_171] : memref<500000x128xf32, #tpu.memory_space<hbm>> -> memref<500000x128xf32, #tpu.memory_space<hbm>>
    tpu.enqueue_indirect_dma source(%dma_start3A_172 : memref<500000x128xf32, #tpu.memory_space<hbm>>) target(%dma_start3A_166 : memref<128x128xf32, #tpu.memory_space<vmem>>) offsets(%dma_start3A_169 : memref<128xi32, #tpu.memory_space<vmem>>) semaphore(%arg18 : memref<!tpu.dma_semaphore, #tpu.memory_space<semaphore_mem>>)
    %dma_start3A_173 = arith.constant 1 : i32
    %dma_start3A_174 = arith.constant 128 : i32
    %dma_start3A_175 = arith.constant 0 : i32
    %dma_start3A_176 = tpu.memref_slice %arg15[%dma_start3A_174, %dma_start3A_175] : memref<512x128xf32, #tpu.memory_space<vmem>> -> memref<128x128xf32, #tpu.memory_space<vmem>>
    %dma_start3A_177 = arith.constant 0 : i32
    %dma_start3A_178 = tpu.memref_slice %arg12[%dma_start3A_173, %dma_start3A_177] : memref<4x128xi32, #tpu.memory_space<vmem>> -> memref<1x128xi32, #tpu.memory_space<vmem>>
    %dma_start3A_179 = tpu.memref_squeeze %dma_start3A_178 : memref<1x128xi32, #tpu.memory_space<vmem>> -> memref<128xi32, #tpu.memory_space<vmem>>
    %dma_start3A_180 = arith.constant 0 : i32
    %dma_start3A_181 = arith.constant 0 : i32
    %dma_start3A_182 = tpu.memref_slice %arg2[%dma_start3A_180, %dma_start3A_181] : memref<500000x128xf32, #tpu.memory_space<hbm>> -> memref<500000x128xf32, #tpu.memory_space<hbm>>
    tpu.enqueue_indirect_dma source(%dma_start3A_182 : memref<500000x128xf32, #tpu.memory_space<hbm>>) target(%dma_start3A_176 : memref<128x128xf32, #tpu.memory_space<vmem>>) offsets(%dma_start3A_179 : memref<128xi32, #tpu.memory_space<vmem>>) semaphore(%arg18 : memref<!tpu.dma_semaphore, #tpu.memory_space<semaphore_mem>>)
    %dma_start3A_183 = arith.constant 2 : i32
    %dma_start3A_184 = arith.constant 256 : i32
    %dma_start3A_185 = arith.constant 0 : i32
    %dma_start3A_186 = tpu.memref_slice %arg15[%dma_start3A_184, %dma_start3A_185] : memref<512x128xf32, #tpu.memory_space<vmem>> -> memref<128x128xf32, #tpu.memory_space<vmem>>
    %dma_start3A_187 = arith.constant 0 : i32
    %dma_start3A_188 = tpu.memref_slice %arg12[%dma_start3A_183, %dma_start3A_187] : memref<4x128xi32, #tpu.memory_space<vmem>> -> memref<1x128xi32, #tpu.memory_space<vmem>>
    %dma_start3A_189 = tpu.memref_squeeze %dma_start3A_188 : memref<1x128xi32, #tpu.memory_space<vmem>> -> memref<128xi32, #tpu.memory_space<vmem>>
    %dma_start3A_190 = arith.constant 0 : i32
    %dma_start3A_191 = arith.constant 0 : i32
    %dma_start3A_192 = tpu.memref_slice %arg2[%dma_start3A_190, %dma_start3A_191] : memref<500000x128xf32, #tpu.memory_space<hbm>> -> memref<500000x128xf32, #tpu.memory_space<hbm>>
    tpu.enqueue_indirect_dma source(%dma_start3A_192 : memref<500000x128xf32, #tpu.memory_space<hbm>>) target(%dma_start3A_186 : memref<128x128xf32, #tpu.memory_space<vmem>>) offsets(%dma_start3A_189 : memref<128xi32, #tpu.memory_space<vmem>>) semaphore(%arg18 : memref<!tpu.dma_semaphore, #tpu.memory_space<semaphore_mem>>)
    %dma_start3A_193 = arith.constant 3 : i32
    %dma_start3A_194 = arith.constant 384 : i32
    %dma_start3A_195 = arith.constant 0 : i32
    %dma_start3A_196 = tpu.memref_slice %arg15[%dma_start3A_194, %dma_start3A_195] : memref<512x128xf32, #tpu.memory_space<vmem>> -> memref<128x128xf32, #tpu.memory_space<vmem>>
    %dma_start3A_197 = arith.constant 0 : i32
    %dma_start3A_198 = tpu.memref_slice %arg12[%dma_start3A_193, %dma_start3A_197] : memref<4x128xi32, #tpu.memory_space<vmem>> -> memref<1x128xi32, #tpu.memory_space<vmem>>
    %dma_start3A_199 = tpu.memref_squeeze %dma_start3A_198 : memref<1x128xi32, #tpu.memory_space<vmem>> -> memref<128xi32, #tpu.memory_space<vmem>>
    %dma_start3A_200 = arith.constant 0 : i32
    %dma_start3A_201 = arith.constant 0 : i32
    %dma_start3A_202 = tpu.memref_slice %arg2[%dma_start3A_200, %dma_start3A_201] : memref<500000x128xf32, #tpu.memory_space<hbm>> -> memref<500000x128xf32, #tpu.memory_space<hbm>>
    tpu.enqueue_indirect_dma source(%dma_start3A_202 : memref<500000x128xf32, #tpu.memory_space<hbm>>) target(%dma_start3A_196 : memref<128x128xf32, #tpu.memory_space<vmem>>) offsets(%dma_start3A_199 : memref<128xi32, #tpu.memory_space<vmem>>) semaphore(%arg18 : memref<!tpu.dma_semaphore, #tpu.memory_space<semaphore_mem>>)
    %dma_wait3A_203 = arith.constant 0 : i32
    %dma_wait3A_204 = arith.constant 0 : i32
    %dma_wait3A_205 = arith.constant 0 : i32
    %dma_wait3A_206 = tpu.memref_slice %arg15[%dma_wait3A_204, %dma_wait3A_205] : memref<512x128xf32, #tpu.memory_space<vmem>> -> memref<128x128xf32, #tpu.memory_space<vmem>>
    %dma_wait3A_207 = arith.constant 0 : i32
    %dma_wait3A_208 = tpu.memref_slice %arg12[%dma_wait3A_203, %dma_wait3A_207] : memref<4x128xi32, #tpu.memory_space<vmem>> -> memref<1x128xi32, #tpu.memory_space<vmem>>
    %dma_wait3A_209 = tpu.memref_squeeze %dma_wait3A_208 : memref<1x128xi32, #tpu.memory_space<vmem>> -> memref<128xi32, #tpu.memory_space<vmem>>
    %dma_wait3A_210 = arith.constant 0 : i32
    %dma_wait3A_211 = arith.constant 0 : i32
    %dma_wait3A_212 = tpu.memref_slice %arg2[%dma_wait3A_210, %dma_wait3A_211] : memref<500000x128xf32, #tpu.memory_space<hbm>> -> memref<500000x128xf32, #tpu.memory_space<hbm>>
    tpu.wait_indirect_dma semaphore(%arg18 : memref<!tpu.dma_semaphore, #tpu.memory_space<semaphore_mem>>) src(%dma_wait3A_212 : memref<500000x128xf32, #tpu.memory_space<hbm>>) dst(%dma_wait3A_206 : memref<128x128xf32, #tpu.memory_space<vmem>>)
    %dma_wait3A_213 = arith.constant 1 : i32
    %dma_wait3A_214 = arith.constant 128 : i32
    %dma_wait3A_215 = arith.constant 0 : i32
    %dma_wait3A_216 = tpu.memref_slice %arg15[%dma_wait3A_214, %dma_wait3A_215] : memref<512x128xf32, #tpu.memory_space<vmem>> -> memref<128x128xf32, #tpu.memory_space<vmem>>
    %dma_wait3A_217 = arith.constant 0 : i32
    %dma_wait3A_218 = tpu.memref_slice %arg12[%dma_wait3A_213, %dma_wait3A_217] : memref<4x128xi32, #tpu.memory_space<vmem>> -> memref<1x128xi32, #tpu.memory_space<vmem>>
    %dma_wait3A_219 = tpu.memref_squeeze %dma_wait3A_218 : memref<1x128xi32, #tpu.memory_space<vmem>> -> memref<128xi32, #tpu.memory_space<vmem>>
    %dma_wait3A_220 = arith.constant 0 : i32
    %dma_wait3A_221 = arith.constant 0 : i32
    %dma_wait3A_222 = tpu.memref_slice %arg2[%dma_wait3A_220, %dma_wait3A_221] : memref<500000x128xf32, #tpu.memory_space<hbm>> -> memref<500000x128xf32, #tpu.memory_space<hbm>>
    tpu.wait_indirect_dma semaphore(%arg18 : memref<!tpu.dma_semaphore, #tpu.memory_space<semaphore_mem>>) src(%dma_wait3A_222 : memref<500000x128xf32, #tpu.memory_space<hbm>>) dst(%dma_wait3A_216 : memref<128x128xf32, #tpu.memory_space<vmem>>)
    %dma_wait3A_223 = arith.constant 2 : i32
    %dma_wait3A_224 = arith.constant 256 : i32
    %dma_wait3A_225 = arith.constant 0 : i32
    %dma_wait3A_226 = tpu.memref_slice %arg15[%dma_wait3A_224, %dma_wait3A_225] : memref<512x128xf32, #tpu.memory_space<vmem>> -> memref<128x128xf32, #tpu.memory_space<vmem>>
    %dma_wait3A_227 = arith.constant 0 : i32
    %dma_wait3A_228 = tpu.memref_slice %arg12[%dma_wait3A_223, %dma_wait3A_227] : memref<4x128xi32, #tpu.memory_space<vmem>> -> memref<1x128xi32, #tpu.memory_space<vmem>>
    %dma_wait3A_229 = tpu.memref_squeeze %dma_wait3A_228 : memref<1x128xi32, #tpu.memory_space<vmem>> -> memref<128xi32, #tpu.memory_space<vmem>>
    %dma_wait3A_230 = arith.constant 0 : i32
    %dma_wait3A_231 = arith.constant 0 : i32
    %dma_wait3A_232 = tpu.memref_slice %arg2[%dma_wait3A_230, %dma_wait3A_231] : memref<500000x128xf32, #tpu.memory_space<hbm>> -> memref<500000x128xf32, #tpu.memory_space<hbm>>
    tpu.wait_indirect_dma semaphore(%arg18 : memref<!tpu.dma_semaphore, #tpu.memory_space<semaphore_mem>>) src(%dma_wait3A_232 : memref<500000x128xf32, #tpu.memory_space<hbm>>) dst(%dma_wait3A_226 : memref<128x128xf32, #tpu.memory_space<vmem>>)
    %dma_wait3A_233 = arith.constant 3 : i32
    %dma_wait3A_234 = arith.constant 384 : i32
    %dma_wait3A_235 = arith.constant 0 : i32
    %dma_wait3A_236 = tpu.memref_slice %arg15[%dma_wait3A_234, %dma_wait3A_235] : memref<512x128xf32, #tpu.memory_space<vmem>> -> memref<128x128xf32, #tpu.memory_space<vmem>>
    %dma_wait3A_237 = arith.constant 0 : i32
    %dma_wait3A_238 = tpu.memref_slice %arg12[%dma_wait3A_233, %dma_wait3A_237] : memref<4x128xi32, #tpu.memory_space<vmem>> -> memref<1x128xi32, #tpu.memory_space<vmem>>
    %dma_wait3A_239 = tpu.memref_squeeze %dma_wait3A_238 : memref<1x128xi32, #tpu.memory_space<vmem>> -> memref<128xi32, #tpu.memory_space<vmem>>
    %dma_wait3A_240 = arith.constant 0 : i32
    %dma_wait3A_241 = arith.constant 0 : i32
    %dma_wait3A_242 = tpu.memref_slice %arg2[%dma_wait3A_240, %dma_wait3A_241] : memref<500000x128xf32, #tpu.memory_space<hbm>> -> memref<500000x128xf32, #tpu.memory_space<hbm>>
    tpu.wait_indirect_dma semaphore(%arg18 : memref<!tpu.dma_semaphore, #tpu.memory_space<semaphore_mem>>) src(%dma_wait3A_242 : memref<500000x128xf32, #tpu.memory_space<hbm>>) dst(%dma_wait3A_236 : memref<128x128xf32, #tpu.memory_space<vmem>>)
    "tpu.region"() ({
      %run_scoped3A = tpu.sem_alloc : memref<!tpu.dma_semaphore, #tpu.memory_space<semaphore_mem>>
      %dma_start3A_323 = arith.constant 0 : i32
      %dma_start3A_324 = tpu.memref_slice %arg9[%mul3A_4, %dma_start3A_323] : memref<16384x128xf32, #tpu.memory_space<hbm>> -> memref<512x128xf32, #tpu.memory_space<hbm>>
      %dma_start3A_325 = arith.constant 0 : i32
      %dma_start3A_326 = tpu.memref_slice %arg9[%mul3A_4, %dma_start3A_325] : memref<16384x128xf32, #tpu.memory_space<hbm>> -> memref<512x128xf32, #tpu.memory_space<hbm>>
      tpu.enqueue_dma source(%arg15 : memref<512x128xf32, #tpu.memory_space<vmem>>) target(%dma_start3A_326 : memref<512x128xf32, #tpu.memory_space<hbm>>) target_semaphore(%run_scoped3A : memref<!tpu.dma_semaphore, #tpu.memory_space<semaphore_mem>>)
      %dma_wait3A_327 = arith.constant 0 : i32
      %dma_wait3A_328 = tpu.memref_slice %arg9[%mul3A_4, %dma_wait3A_327] : memref<16384x128xf32, #tpu.memory_space<hbm>> -> memref<512x128xf32, #tpu.memory_space<hbm>>
      %dma_wait3A_329 = arith.constant 0 : i32
      %dma_wait3A_330 = tpu.memref_slice %arg9[%mul3A_4, %dma_wait3A_329] : memref<16384x128xf32, #tpu.memory_space<hbm>> -> memref<512x128xf32, #tpu.memory_space<hbm>>
      tpu.wait_dma2 semaphore(%run_scoped3A : memref<!tpu.dma_semaphore, #tpu.memory_space<semaphore_mem>>) src(%arg15 : memref<512x128xf32, #tpu.memory_space<vmem>>) dst(%dma_wait3A_330 : memref<512x128xf32, #tpu.memory_space<hbm>>)
      tpu.yield
    }) : () -> ()
    %dma_wait3A_243 = arith.constant 0 : i32
    %dma_wait3A_244 = arith.constant 0 : i32
    %dma_wait3A_245 = arith.constant 0 : i32
    %dma_wait3A_246 = tpu.memref_slice %arg16[%dma_wait3A_244, %dma_wait3A_245] : memref<4x128xf32, #tpu.memory_space<vmem>> -> memref<1x128xf32, #tpu.memory_space<vmem>>
    %dma_wait3A_247 = tpu.memref_squeeze %dma_wait3A_246 : memref<1x128xf32, #tpu.memory_space<vmem>> -> memref<128xf32, #tpu.memory_space<vmem>>
    %dma_wait3A_248 = arith.constant 0 : i32
    %dma_wait3A_249 = tpu.memref_slice %arg13[%dma_wait3A_243, %dma_wait3A_248] : memref<4x128xi32, #tpu.memory_space<vmem>> -> memref<1x128xi32, #tpu.memory_space<vmem>>
    %dma_wait3A_250 = tpu.memref_squeeze %dma_wait3A_249 : memref<1x128xi32, #tpu.memory_space<vmem>> -> memref<128xi32, #tpu.memory_space<vmem>>
    %dma_wait3A_251 = arith.constant 0 : i32
    %dma_wait3A_252 = tpu.memref_slice %arg3[%dma_wait3A_251] : memref<1000000xf32, #tpu.memory_space<hbm>> -> memref<1000000xf32, #tpu.memory_space<hbm>>
    tpu.wait_indirect_dma semaphore(%arg18 : memref<!tpu.dma_semaphore, #tpu.memory_space<semaphore_mem>>) src(%dma_wait3A_252 : memref<1000000xf32, #tpu.memory_space<hbm>>) dst(%dma_wait3A_247 : memref<128xf32, #tpu.memory_space<vmem>>)
    %dma_wait3A_253 = arith.constant 0 : i32
    %dma_wait3A_254 = arith.constant 0 : i32
    %dma_wait3A_255 = arith.constant 0 : i32
    %dma_wait3A_256 = tpu.memref_slice %arg17[%dma_wait3A_254, %dma_wait3A_255] : memref<4x128xf32, #tpu.memory_space<vmem>> -> memref<1x128xf32, #tpu.memory_space<vmem>>
    %dma_wait3A_257 = tpu.memref_squeeze %dma_wait3A_256 : memref<1x128xf32, #tpu.memory_space<vmem>> -> memref<128xf32, #tpu.memory_space<vmem>>
    %dma_wait3A_258 = arith.constant 0 : i32
    %dma_wait3A_259 = tpu.memref_slice %arg14[%dma_wait3A_253, %dma_wait3A_258] : memref<4x128xi32, #tpu.memory_space<vmem>> -> memref<1x128xi32, #tpu.memory_space<vmem>>
    %dma_wait3A_260 = tpu.memref_squeeze %dma_wait3A_259 : memref<1x128xi32, #tpu.memory_space<vmem>> -> memref<128xi32, #tpu.memory_space<vmem>>
    %dma_wait3A_261 = arith.constant 0 : i32
    %dma_wait3A_262 = tpu.memref_slice %arg3[%dma_wait3A_261] : memref<1000000xf32, #tpu.memory_space<hbm>> -> memref<1000000xf32, #tpu.memory_space<hbm>>
    tpu.wait_indirect_dma semaphore(%arg18 : memref<!tpu.dma_semaphore, #tpu.memory_space<semaphore_mem>>) src(%dma_wait3A_262 : memref<1000000xf32, #tpu.memory_space<hbm>>) dst(%dma_wait3A_257 : memref<128xf32, #tpu.memory_space<vmem>>)
    %dma_wait3A_263 = arith.constant 1 : i32
    %dma_wait3A_264 = arith.constant 1 : i32
    %dma_wait3A_265 = arith.constant 0 : i32
    %dma_wait3A_266 = tpu.memref_slice %arg16[%dma_wait3A_264, %dma_wait3A_265] : memref<4x128xf32, #tpu.memory_space<vmem>> -> memref<1x128xf32, #tpu.memory_space<vmem>>
    %dma_wait3A_267 = tpu.memref_squeeze %dma_wait3A_266 : memref<1x128xf32, #tpu.memory_space<vmem>> -> memref<128xf32, #tpu.memory_space<vmem>>
    %dma_wait3A_268 = arith.constant 0 : i32
    %dma_wait3A_269 = tpu.memref_slice %arg13[%dma_wait3A_263, %dma_wait3A_268] : memref<4x128xi32, #tpu.memory_space<vmem>> -> memref<1x128xi32, #tpu.memory_space<vmem>>
    %dma_wait3A_270 = tpu.memref_squeeze %dma_wait3A_269 : memref<1x128xi32, #tpu.memory_space<vmem>> -> memref<128xi32, #tpu.memory_space<vmem>>
    %dma_wait3A_271 = arith.constant 0 : i32
    %dma_wait3A_272 = tpu.memref_slice %arg3[%dma_wait3A_271] : memref<1000000xf32, #tpu.memory_space<hbm>> -> memref<1000000xf32, #tpu.memory_space<hbm>>
    tpu.wait_indirect_dma semaphore(%arg18 : memref<!tpu.dma_semaphore, #tpu.memory_space<semaphore_mem>>) src(%dma_wait3A_272 : memref<1000000xf32, #tpu.memory_space<hbm>>) dst(%dma_wait3A_267 : memref<128xf32, #tpu.memory_space<vmem>>)
    %dma_wait3A_273 = arith.constant 1 : i32
    %dma_wait3A_274 = arith.constant 1 : i32
    %dma_wait3A_275 = arith.constant 0 : i32
    %dma_wait3A_276 = tpu.memref_slice %arg17[%dma_wait3A_274, %dma_wait3A_275] : memref<4x128xf32, #tpu.memory_space<vmem>> -> memref<1x128xf32, #tpu.memory_space<vmem>>
    %dma_wait3A_277 = tpu.memref_squeeze %dma_wait3A_276 : memref<1x128xf32, #tpu.memory_space<vmem>> -> memref<128xf32, #tpu.memory_space<vmem>>
    %dma_wait3A_278 = arith.constant 0 : i32
    %dma_wait3A_279 = tpu.memref_slice %arg14[%dma_wait3A_273, %dma_wait3A_278] : memref<4x128xi32, #tpu.memory_space<vmem>> -> memref<1x128xi32, #tpu.memory_space<vmem>>
    %dma_wait3A_280 = tpu.memref_squeeze %dma_wait3A_279 : memref<1x128xi32, #tpu.memory_space<vmem>> -> memref<128xi32, #tpu.memory_space<vmem>>
    %dma_wait3A_281 = arith.constant 0 : i32
    %dma_wait3A_282 = tpu.memref_slice %arg3[%dma_wait3A_281] : memref<1000000xf32, #tpu.memory_space<hbm>> -> memref<1000000xf32, #tpu.memory_space<hbm>>
    tpu.wait_indirect_dma semaphore(%arg18 : memref<!tpu.dma_semaphore, #tpu.memory_space<semaphore_mem>>) src(%dma_wait3A_282 : memref<1000000xf32, #tpu.memory_space<hbm>>) dst(%dma_wait3A_277 : memref<128xf32, #tpu.memory_space<vmem>>)
    %dma_wait3A_283 = arith.constant 2 : i32
    %dma_wait3A_284 = arith.constant 2 : i32
    %dma_wait3A_285 = arith.constant 0 : i32
    %dma_wait3A_286 = tpu.memref_slice %arg16[%dma_wait3A_284, %dma_wait3A_285] : memref<4x128xf32, #tpu.memory_space<vmem>> -> memref<1x128xf32, #tpu.memory_space<vmem>>
    %dma_wait3A_287 = tpu.memref_squeeze %dma_wait3A_286 : memref<1x128xf32, #tpu.memory_space<vmem>> -> memref<128xf32, #tpu.memory_space<vmem>>
    %dma_wait3A_288 = arith.constant 0 : i32
    %dma_wait3A_289 = tpu.memref_slice %arg13[%dma_wait3A_283, %dma_wait3A_288] : memref<4x128xi32, #tpu.memory_space<vmem>> -> memref<1x128xi32, #tpu.memory_space<vmem>>
    %dma_wait3A_290 = tpu.memref_squeeze %dma_wait3A_289 : memref<1x128xi32, #tpu.memory_space<vmem>> -> memref<128xi32, #tpu.memory_space<vmem>>
    %dma_wait3A_291 = arith.constant 0 : i32
    %dma_wait3A_292 = tpu.memref_slice %arg3[%dma_wait3A_291] : memref<1000000xf32, #tpu.memory_space<hbm>> -> memref<1000000xf32, #tpu.memory_space<hbm>>
    tpu.wait_indirect_dma semaphore(%arg18 : memref<!tpu.dma_semaphore, #tpu.memory_space<semaphore_mem>>) src(%dma_wait3A_292 : memref<1000000xf32, #tpu.memory_space<hbm>>) dst(%dma_wait3A_287 : memref<128xf32, #tpu.memory_space<vmem>>)
    %dma_wait3A_293 = arith.constant 2 : i32
    %dma_wait3A_294 = arith.constant 2 : i32
    %dma_wait3A_295 = arith.constant 0 : i32
    %dma_wait3A_296 = tpu.memref_slice %arg17[%dma_wait3A_294, %dma_wait3A_295] : memref<4x128xf32, #tpu.memory_space<vmem>> -> memref<1x128xf32, #tpu.memory_space<vmem>>
    %dma_wait3A_297 = tpu.memref_squeeze %dma_wait3A_296 : memref<1x128xf32, #tpu.memory_space<vmem>> -> memref<128xf32, #tpu.memory_space<vmem>>
    %dma_wait3A_298 = arith.constant 0 : i32
    %dma_wait3A_299 = tpu.memref_slice %arg14[%dma_wait3A_293, %dma_wait3A_298] : memref<4x128xi32, #tpu.memory_space<vmem>> -> memref<1x128xi32, #tpu.memory_space<vmem>>
    %dma_wait3A_300 = tpu.memref_squeeze %dma_wait3A_299 : memref<1x128xi32, #tpu.memory_space<vmem>> -> memref<128xi32, #tpu.memory_space<vmem>>
    %dma_wait3A_301 = arith.constant 0 : i32
    %dma_wait3A_302 = tpu.memref_slice %arg3[%dma_wait3A_301] : memref<1000000xf32, #tpu.memory_space<hbm>> -> memref<1000000xf32, #tpu.memory_space<hbm>>
    tpu.wait_indirect_dma semaphore(%arg18 : memref<!tpu.dma_semaphore, #tpu.memory_space<semaphore_mem>>) src(%dma_wait3A_302 : memref<1000000xf32, #tpu.memory_space<hbm>>) dst(%dma_wait3A_297 : memref<128xf32, #tpu.memory_space<vmem>>)
    %dma_wait3A_303 = arith.constant 3 : i32
    %dma_wait3A_304 = arith.constant 3 : i32
    %dma_wait3A_305 = arith.constant 0 : i32
    %dma_wait3A_306 = tpu.memref_slice %arg16[%dma_wait3A_304, %dma_wait3A_305] : memref<4x128xf32, #tpu.memory_space<vmem>> -> memref<1x128xf32, #tpu.memory_space<vmem>>
    %dma_wait3A_307 = tpu.memref_squeeze %dma_wait3A_306 : memref<1x128xf32, #tpu.memory_space<vmem>> -> memref<128xf32, #tpu.memory_space<vmem>>
    %dma_wait3A_308 = arith.constant 0 : i32
    %dma_wait3A_309 = tpu.memref_slice %arg13[%dma_wait3A_303, %dma_wait3A_308] : memref<4x128xi32, #tpu.memory_space<vmem>> -> memref<1x128xi32, #tpu.memory_space<vmem>>
    %dma_wait3A_310 = tpu.memref_squeeze %dma_wait3A_309 : memref<1x128xi32, #tpu.memory_space<vmem>> -> memref<128xi32, #tpu.memory_space<vmem>>
    %dma_wait3A_311 = arith.constant 0 : i32
    %dma_wait3A_312 = tpu.memref_slice %arg3[%dma_wait3A_311] : memref<1000000xf32, #tpu.memory_space<hbm>> -> memref<1000000xf32, #tpu.memory_space<hbm>>
    tpu.wait_indirect_dma semaphore(%arg18 : memref<!tpu.dma_semaphore, #tpu.memory_space<semaphore_mem>>) src(%dma_wait3A_312 : memref<1000000xf32, #tpu.memory_space<hbm>>) dst(%dma_wait3A_307 : memref<128xf32, #tpu.memory_space<vmem>>)
    %dma_wait3A_313 = arith.constant 3 : i32
    %dma_wait3A_314 = arith.constant 3 : i32
    %dma_wait3A_315 = arith.constant 0 : i32
    %dma_wait3A_316 = tpu.memref_slice %arg17[%dma_wait3A_314, %dma_wait3A_315] : memref<4x128xf32, #tpu.memory_space<vmem>> -> memref<1x128xf32, #tpu.memory_space<vmem>>
    %dma_wait3A_317 = tpu.memref_squeeze %dma_wait3A_316 : memref<1x128xf32, #tpu.memory_space<vmem>> -> memref<128xf32, #tpu.memory_space<vmem>>
    %dma_wait3A_318 = arith.constant 0 : i32
    %dma_wait3A_319 = tpu.memref_slice %arg14[%dma_wait3A_313, %dma_wait3A_318] : memref<4x128xi32, #tpu.memory_space<vmem>> -> memref<1x128xi32, #tpu.memory_space<vmem>>
    %dma_wait3A_320 = tpu.memref_squeeze %dma_wait3A_319 : memref<1x128xi32, #tpu.memory_space<vmem>> -> memref<128xi32, #tpu.memory_space<vmem>>
    %dma_wait3A_321 = arith.constant 0 : i32
    %dma_wait3A_322 = tpu.memref_slice %arg3[%dma_wait3A_321] : memref<1000000xf32, #tpu.memory_space<hbm>> -> memref<1000000xf32, #tpu.memory_space<hbm>>
    tpu.wait_indirect_dma semaphore(%arg18 : memref<!tpu.dma_semaphore, #tpu.memory_space<semaphore_mem>>) src(%dma_wait3A_322 : memref<1000000xf32, #tpu.memory_space<hbm>>) dst(%dma_wait3A_317 : memref<128xf32, #tpu.memory_space<vmem>>)
    "tpu.region"() ({
      %run_scoped3A = tpu.sem_alloc : memref<!tpu.dma_semaphore, #tpu.memory_space<semaphore_mem>>
      %dma_start3A_323 = arith.constant 0 : i32
      %dma_start3A_324 = tpu.memref_slice %arg10[%mul3A_2, %dma_start3A_323] : memref<128x128xf32, #tpu.memory_space<hbm>> -> memref<4x128xf32, #tpu.memory_space<hbm>>
      %dma_start3A_325 = arith.constant 0 : i32
      %dma_start3A_326 = tpu.memref_slice %arg10[%mul3A_2, %dma_start3A_325] : memref<128x128xf32, #tpu.memory_space<hbm>> -> memref<4x128xf32, #tpu.memory_space<hbm>>
      tpu.enqueue_dma source(%arg16 : memref<4x128xf32, #tpu.memory_space<vmem>>) target(%dma_start3A_326 : memref<4x128xf32, #tpu.memory_space<hbm>>) target_semaphore(%run_scoped3A : memref<!tpu.dma_semaphore, #tpu.memory_space<semaphore_mem>>)
      %dma_wait3A_327 = arith.constant 0 : i32
      %dma_wait3A_328 = tpu.memref_slice %arg10[%mul3A_2, %dma_wait3A_327] : memref<128x128xf32, #tpu.memory_space<hbm>> -> memref<4x128xf32, #tpu.memory_space<hbm>>
      %dma_wait3A_329 = arith.constant 0 : i32
      %dma_wait3A_330 = tpu.memref_slice %arg10[%mul3A_2, %dma_wait3A_329] : memref<128x128xf32, #tpu.memory_space<hbm>> -> memref<4x128xf32, #tpu.memory_space<hbm>>
      tpu.wait_dma2 semaphore(%run_scoped3A : memref<!tpu.dma_semaphore, #tpu.memory_space<semaphore_mem>>) src(%arg16 : memref<4x128xf32, #tpu.memory_space<vmem>>) dst(%dma_wait3A_330 : memref<4x128xf32, #tpu.memory_space<hbm>>)
      tpu.yield
    }) : () -> ()
    "tpu.region"() ({
      %run_scoped3A = tpu.sem_alloc : memref<!tpu.dma_semaphore, #tpu.memory_space<semaphore_mem>>
      %dma_start3A_323 = arith.constant 0 : i32
      %dma_start3A_324 = tpu.memref_slice %arg11[%mul3A_2, %dma_start3A_323] : memref<128x128xf32, #tpu.memory_space<hbm>> -> memref<4x128xf32, #tpu.memory_space<hbm>>
      %dma_start3A_325 = arith.constant 0 : i32
      %dma_start3A_326 = tpu.memref_slice %arg11[%mul3A_2, %dma_start3A_325] : memref<128x128xf32, #tpu.memory_space<hbm>> -> memref<4x128xf32, #tpu.memory_space<hbm>>
      tpu.enqueue_dma source(%arg17 : memref<4x128xf32, #tpu.memory_space<vmem>>) target(%dma_start3A_326 : memref<4x128xf32, #tpu.memory_space<hbm>>) target_semaphore(%run_scoped3A : memref<!tpu.dma_semaphore, #tpu.memory_space<semaphore_mem>>)
      %dma_wait3A_327 = arith.constant 0 : i32
      %dma_wait3A_328 = tpu.memref_slice %arg11[%mul3A_2, %dma_wait3A_327] : memref<128x128xf32, #tpu.memory_space<hbm>> -> memref<4x128xf32, #tpu.memory_space<hbm>>
      %dma_wait3A_329 = arith.constant 0 : i32
      %dma_wait3A_330 = tpu.memref_slice %arg11[%mul3A_2, %dma_wait3A_329] : memref<128x128xf32, #tpu.memory_space<hbm>> -> memref<4x128xf32, #tpu.memory_space<hbm>>
      tpu.wait_dma2 semaphore(%run_scoped3A : memref<!tpu.dma_semaphore, #tpu.memory_space<semaphore_mem>>) src(%arg17 : memref<4x128xf32, #tpu.memory_space<vmem>>) dst(%dma_wait3A_330 : memref<4x128xf32, #tpu.memory_space<hbm>>)
      tpu.yield
    }) : () -> ()
    return
  }
}

module attributes {stable_mosaic.version = 14 : i64} {
  func.func @_repack_body(%arg0: i32, %arg1: memref<4000x64xf32, #tpu.memory_space<vmem>>, %arg2: memref<4000x64xf32, #tpu.memory_space<vmem>>, %arg3: memref<4000x128xf32, #tpu.memory_space<vmem>>) attributes {dimension_semantics = [#tpu.dimension_semantics<arbitrary>], iteration_bounds = array<i64: 125>, scalar_prefetch = 0 : i64, scratch_operands = 0 : i64, tpu.core_type = #tpu.core_type<tc>, window_params = [{transform_indices = @transform_0, window_bounds = array<i64: 4000, 64>}, {transform_indices = @transform_1, window_bounds = array<i64: 4000, 64>}, {transform_indices = @transform_2, window_bounds = array<i64: 4000, 128>}]} {
    %get3A = arith.constant 0 : index
    %get3A_0 = arith.constant 0 : index
    %get3A_1 = vector.load %arg1[%get3A, %get3A_0] : memref<4000x64xf32, #tpu.memory_space<vmem>>, vector<4000x64xf32>
    %swap3A = arith.constant 0 : index
    %swap3A_2 = arith.constant 0 : index
    %swap3A_3 = vector.load %arg3[%swap3A, %swap3A_2] : memref<4000x128xf32, #tpu.memory_space<vmem>>, vector<4000x64xf32>
    tpu.vector_store %arg3[%swap3A, %swap3A_2], %get3A_1 {strides = array<i32>} : memref<4000x128xf32, #tpu.memory_space<vmem>>, vector<4000x64xf32>,
    %get3A_4 = arith.constant 0 : index
    %get3A_5 = arith.constant 0 : index
    %get3A_6 = vector.load %arg2[%get3A_4, %get3A_5] : memref<4000x64xf32, #tpu.memory_space<vmem>>, vector<4000x64xf32>
    %swap3A_7 = arith.constant 0 : index
    %swap3A_8 = arith.constant 64 : index
    %swap3A_9 = vector.load %arg3[%swap3A_7, %swap3A_8] : memref<4000x128xf32, #tpu.memory_space<vmem>>, vector<4000x64xf32>
    tpu.vector_store %arg3[%swap3A_7, %swap3A_8], %get3A_6 {strides = array<i32>} : memref<4000x128xf32, #tpu.memory_space<vmem>>, vector<4000x64xf32>,
    return
  }
  func.func @transform_0(%arg0: i32) -> (i32, i32) {
    %c0_i32 = arith.constant 0 : i32
    %c0_i32_0 = arith.constant 0 : i32
    return %arg0, %c0_i32 : i32, i32
  }
  func.func @transform_1(%arg0: i32) -> (i32, i32) {
    %add3A = arith.constant 125 : i32
    %add3A_0 = arith.addi %arg0, %add3A : i32
    %c0_i32 = arith.constant 0 : i32
    %c0_i32_1 = arith.constant 0 : i32
    return %add3A_0, %c0_i32 : i32, i32
  }
  func.func @transform_2(%arg0: i32) -> (i32, i32) {
    %c0_i32 = arith.constant 0 : i32
    %c0_i32_0 = arith.constant 0 : i32
    return %arg0, %c0_i32 : i32, i32
  }
}

module attributes {stable_mosaic.version = 14 : i64} {
  func.func @_tc_dense_body(%arg0: i32, %arg1: memref<2048x1xf32, #tpu.memory_space<vmem>>, %arg2: memref<2048x1xf32, #tpu.memory_space<vmem>>, %arg3: memref<2048x1xf32, #tpu.memory_space<vmem>>, %arg4: memref<2048x1xi32, #tpu.memory_space<vmem>>, %arg5: memref<2048x1xi32, #tpu.memory_space<vmem>>, %arg6: memref<2048x128xf32, #tpu.memory_space<vmem>>, %arg7: memref<2048x128xf32, #tpu.memory_space<vmem>>, %arg8: memref<2048x128xf32, #tpu.memory_space<vmem>>, %arg9: memref<2048x128xf32, #tpu.memory_space<vmem>>, %arg10: memref<128x64xf32, #tpu.memory_space<vmem>>, %arg11: memref<1x64xf32, #tpu.memory_space<vmem>>, %arg12: memref<128x64xf32, #tpu.memory_space<vmem>>, %arg13: memref<1x64xf32, #tpu.memory_space<vmem>>, %arg14: memref<64x64xf32, #tpu.memory_space<vmem>>, %arg15: memref<1x64xf32, #tpu.memory_space<vmem>>, %arg16: memref<128x64xf32, #tpu.memory_space<vmem>>, %arg17: memref<1x64xf32, #tpu.memory_space<vmem>>, %arg18: memref<64x1xf32, #tpu.memory_space<vmem>>, %arg19: memref<1x1xf32, #tpu.memory_space<vmem>>, %arg20: memref<2048x1xf32, #tpu.memory_space<vmem>>, %arg21: memref<2048x64xf32, #tpu.memory_space<vmem>>, %arg22: memref<2048x64xf32, #tpu.memory_space<vmem>>) attributes {dimension_semantics = [#tpu.dimension_semantics<arbitrary>], iteration_bounds = array<i64: 8>, scalar_prefetch = 0 : i64, scratch_operands = 0 : i64, tpu.core_type = #tpu.core_type<tc>, window_params = [{transform_indices = @transform_0, window_bounds = array<i64: 2048, 1>}, {transform_indices = @transform_1, window_bounds = array<i64: 2048, 1>}, {transform_indices = @transform_2, window_bounds = array<i64: 2048, 1>}, {transform_indices = @transform_3, window_bounds = array<i64: 2048, 1>}, {transform_indices = @transform_4, window_bounds = array<i64: 2048, 1>}, {transform_indices = @transform_5, window_bounds = array<i64: 2048, 128>}, {transform_indices = @transform_6, window_bounds = array<i64: 2048, 128>}, {transform_indices = @transform_7, window_bounds = array<i64: 2048, 128>}, {transform_indices = @transform_8, window_bounds = array<i64: 2048, 128>}, {pipeline_mode = #tpu.pipeline_mode<synchronous>, transform_indices = @transform_9, window_bounds = array<i64: 128, 64>}, {pipeline_mode = #tpu.pipeline_mode<synchronous>, transform_indices = @transform_10, window_bounds = array<i64: 1, 64>}, {pipeline_mode = #tpu.pipeline_mode<synchronous>, transform_indices = @transform_11, window_bounds = array<i64: 128, 64>}, {pipeline_mode = #tpu.pipeline_mode<synchronous>, transform_indices = @transform_12, window_bounds = array<i64: 1, 64>}, {pipeline_mode = #tpu.pipeline_mode<synchronous>, transform_indices = @transform_13, window_bounds = array<i64: 64, 64>}, {pipeline_mode = #tpu.pipeline_mode<synchronous>, transform_indices = @transform_14, window_bounds = array<i64: 1, 64>}, {pipeline_mode = #tpu.pipeline_mode<synchronous>, transform_indices = @transform_15, window_bounds = array<i64: 128, 64>}, {pipeline_mode = #tpu.pipeline_mode<synchronous>, transform_indices = @transform_16, window_bounds = array<i64: 1, 64>}, {pipeline_mode = #tpu.pipeline_mode<synchronous>, transform_indices = @transform_17, window_bounds = array<i64: 64, 1>}, {pipeline_mode = #tpu.pipeline_mode<synchronous>, transform_indices = @transform_18, window_bounds = array<i64: 1, 1>}, {transform_indices = @transform_19, window_bounds = array<i64: 2048, 1>}, {transform_indices = @transform_20, window_bounds = array<i64: 2048, 64>}, {transform_indices = @transform_21, window_bounds = array<i64: 2048, 64>}]} {
    %get3A = arith.constant 0 : index
    %get3A_0 = arith.constant 0 : index
    %get3A_1 = vector.load %arg1[%get3A, %get3A_0] : memref<2048x1xf32, #tpu.memory_space<vmem>>, vector<2048x1xf32>
    %get3A_2 = arith.constant 0 : index
    %get3A_3 = arith.constant 0 : index
    %get3A_4 = vector.load %arg4[%get3A_2, %get3A_3] : memref<2048x1xi32, #tpu.memory_space<vmem>>, vector<2048x1xi32>
    %get3A_5 = arith.constant 0 : index
    %get3A_6 = arith.constant 0 : index
    %get3A_7 = vector.load %arg6[%get3A_5, %get3A_6] : memref<2048x128xf32, #tpu.memory_space<vmem>>, vector<2048x128xf32>
    %eq3A = arith.constant 0 : i32
    %eq3A_8 = vector.broadcast %eq3A : i32 to vector<2048x1xi32>
    %eq3A_9 = arith.cmpi eq, %get3A_4, %eq3A_8 : vector<2048x1xi32>
    %convert_element_type3A = arith.extui %eq3A_9 : vector<2048x1xi1> to vector<2048x1xi32>
    %convert_element_type3A_10 = arith.sitofp %convert_element_type3A : vector<2048x1xi32> to vector<2048x1xf32>
    %eq3A_11 = arith.constant 1 : i32
    %eq3A_12 = vector.broadcast %eq3A_11 : i32 to vector<2048x1xi32>
    %eq3A_13 = arith.cmpi eq, %get3A_4, %eq3A_12 : vector<2048x1xi32>
    %convert_element_type3A_14 = arith.extui %eq3A_13 : vector<2048x1xi1> to vector<2048x1xi32>
    %convert_element_type3A_15 = arith.sitofp %convert_element_type3A_14 : vector<2048x1xi32> to vector<2048x1xf32>
    %slice3A = vector.extract_strided_slice %get3A_7 {offsets = [0, 0], sizes = [2048, 64], strides = [1, 1]} : vector<2048x128xf32> to vector<2048x64xf32>
    %mul3A = vector.broadcast %convert_element_type3A_10 : vector<2048x1xf32> to vector<2048x64xf32>
    %mul3A_16 = arith.mulf %slice3A, %mul3A : vector<2048x64xf32>
    %slice3A_17 = vector.extract_strided_slice %get3A_7 {offsets = [0, 64], sizes = [2048, 64], strides = [1, 1]} : vector<2048x128xf32> to vector<2048x64xf32>
    %mul3A_18 = vector.broadcast %convert_element_type3A_15 : vector<2048x1xf32> to vector<2048x64xf32>
    %mul3A_19 = arith.mulf %slice3A_17, %mul3A_18 : vector<2048x64xf32>
    %add3A = arith.addf %mul3A_16, %mul3A_19 : vector<2048x64xf32>
    %get3A_20 = arith.constant 0 : index
    %get3A_21 = arith.constant 0 : index
    %get3A_22 = vector.load %arg2[%get3A_20, %get3A_21] : memref<2048x1xf32, #tpu.memory_space<vmem>>, vector<2048x1xf32>
    %sub3A = arith.subf %get3A_1, %get3A_22 : vector<2048x1xf32>
    %max3A = arith.constant 0.000000e+00 : f32
    %max3A_23 = vector.broadcast %max3A : f32 to vector<2048x1xf32>
    %max3A_24 = arith.maximumf %sub3A, %max3A_23 : vector<2048x1xf32>
    %mul3A_25 = arith.constant -2.000000e-01 : f32
    %mul3A_26 = vector.broadcast %mul3A_25 : f32 to vector<2048x1xf32>
    %mul3A_27 = arith.mulf %mul3A_26, %max3A_24 : vector<2048x1xf32>
    %exp3A = math.exp %mul3A_27 : vector<2048x1xf32>
    %mul3A_28 = vector.broadcast %exp3A : vector<2048x1xf32> to vector<2048x64xf32>
    %mul3A_29 = arith.mulf %add3A, %mul3A_28 : vector<2048x64xf32>
    %get3A_30 = arith.constant 0 : index
    %get3A_31 = arith.constant 0 : index
    %get3A_32 = vector.load %arg8[%get3A_30, %get3A_31] : memref<2048x128xf32, #tpu.memory_space<vmem>>, vector<2048x128xf32>
    %get3A_33 = arith.constant 0 : index
    %get3A_34 = arith.constant 0 : index
    %get3A_35 = vector.load %arg10[%get3A_33, %get3A_34] : memref<128x64xf32, #tpu.memory_space<vmem>>, vector<128x64xf32>
    %dot_general3A = arith.constant dense<0.000000e+00> : vector<2048x64xf32>
    %dot_general3A_36 = tpu.matmul %get3A_32, %get3A_35, %dot_general3A {dimension_numbers = #tpu.dot_dimension_numbers<[1], [0], [0], [1], [0, 0, 1, 1], [], []>, transpose_lhs_hint = false} : vector<2048x128xf32>, vector<128x64xf32>, vector<2048x64xf32> -> vector<2048x64xf32>
    %get3A_37 = arith.constant 0 : index
    %get3A_38 = arith.constant 0 : index
    %get3A_39 = vector.load %arg11[%get3A_37, %get3A_38] : memref<1x64xf32, #tpu.memory_space<vmem>>, vector<1x64xf32>
    %add3A_40 = vector.broadcast %get3A_39 : vector<1x64xf32> to vector<2048x64xf32>
    %add3A_41 = arith.addf %dot_general3A_36, %add3A_40 : vector<2048x64xf32>
    %get3A_42 = arith.constant 0 : index
    %get3A_43 = arith.constant 0 : index
    %get3A_44 = vector.load %arg12[%get3A_42, %get3A_43] : memref<128x64xf32, #tpu.memory_space<vmem>>, vector<64x64xf32>
    %dot_general3A_45 = arith.constant dense<0.000000e+00> : vector<2048x64xf32>
    %dot_general3A_46 = tpu.matmul %mul3A_29, %get3A_44, %dot_general3A_45 {dimension_numbers = #tpu.dot_dimension_numbers<[1], [0], [0], [1], [0, 0, 1, 1], [], []>, transpose_lhs_hint = false} : vector<2048x64xf32>, vector<64x64xf32>, vector<2048x64xf32> -> vector<2048x64xf32>
    %get3A_47 = arith.constant 64 : index
    %get3A_48 = arith.constant 0 : index
    %get3A_49 = vector.load %arg12[%get3A_47, %get3A_48] : memref<128x64xf32, #tpu.memory_space<vmem>>, vector<64x64xf32>
    %dot_general3A_50 = arith.constant dense<0.000000e+00> : vector<2048x64xf32>
    %dot_general3A_51 = tpu.matmul %add3A_41, %get3A_49, %dot_general3A_50 {dimension_numbers = #tpu.dot_dimension_numbers<[1], [0], [0], [1], [0, 0, 1, 1], [], []>, transpose_lhs_hint = false} : vector<2048x64xf32>, vector<64x64xf32>, vector<2048x64xf32> -> vector<2048x64xf32>
    %add3A_52 = arith.addf %dot_general3A_46, %dot_general3A_51 : vector<2048x64xf32>
    %get3A_53 = arith.constant 0 : index
    %get3A_54 = arith.constant 0 : index
    %get3A_55 = vector.load %arg13[%get3A_53, %get3A_54] : memref<1x64xf32, #tpu.memory_space<vmem>>, vector<1x64xf32>
    %add3A_56 = vector.broadcast %get3A_55 : vector<1x64xf32> to vector<2048x64xf32>
    %add3A_57 = arith.addf %add3A_52, %add3A_56 : vector<2048x64xf32>
    %max3A_58 = arith.constant 0.000000e+00 : f32
    %max3A_59 = vector.broadcast %max3A_58 : f32 to vector<2048x64xf32>
    %max3A_60 = arith.maximumf %add3A_57, %max3A_59 : vector<2048x64xf32>
    %get3A_61 = arith.constant 0 : index
    %get3A_62 = arith.constant 0 : index
    %get3A_63 = vector.load %arg14[%get3A_61, %get3A_62] : memref<64x64xf32, #tpu.memory_space<vmem>>, vector<64x64xf32>
    %dot_general3A_64 = arith.constant dense<0.000000e+00> : vector<2048x64xf32>
    %dot_general3A_65 = tpu.matmul %max3A_60, %get3A_63, %dot_general3A_64 {dimension_numbers = #tpu.dot_dimension_numbers<[1], [0], [0], [1], [0, 0, 1, 1], [], []>, transpose_lhs_hint = false} : vector<2048x64xf32>, vector<64x64xf32>, vector<2048x64xf32> -> vector<2048x64xf32>
    %get3A_66 = arith.constant 0 : index
    %get3A_67 = arith.constant 0 : index
    %get3A_68 = vector.load %arg15[%get3A_66, %get3A_67] : memref<1x64xf32, #tpu.memory_space<vmem>>, vector<1x64xf32>
    %add3A_69 = vector.broadcast %get3A_68 : vector<1x64xf32> to vector<2048x64xf32>
    %add3A_70 = arith.addf %dot_general3A_65, %add3A_69 : vector<2048x64xf32>
    %get3A_71 = arith.constant 0 : index
    %get3A_72 = arith.constant 0 : index
    %get3A_73 = vector.load %arg5[%get3A_71, %get3A_72] : memref<2048x1xi32, #tpu.memory_space<vmem>>, vector<2048x1xi32>
    %get3A_74 = arith.constant 0 : index
    %get3A_75 = arith.constant 0 : index
    %get3A_76 = vector.load %arg7[%get3A_74, %get3A_75] : memref<2048x128xf32, #tpu.memory_space<vmem>>, vector<2048x128xf32>
    %eq3A_77 = arith.constant 0 : i32
    %eq3A_78 = vector.broadcast %eq3A_77 : i32 to vector<2048x1xi32>
    %eq3A_79 = arith.cmpi eq, %get3A_73, %eq3A_78 : vector<2048x1xi32>
    %convert_element_type3A_80 = arith.extui %eq3A_79 : vector<2048x1xi1> to vector<2048x1xi32>
    %convert_element_type3A_81 = arith.sitofp %convert_element_type3A_80 : vector<2048x1xi32> to vector<2048x1xf32>
    %eq3A_82 = arith.constant 1 : i32
    %eq3A_83 = vector.broadcast %eq3A_82 : i32 to vector<2048x1xi32>
    %eq3A_84 = arith.cmpi eq, %get3A_73, %eq3A_83 : vector<2048x1xi32>
    %convert_element_type3A_85 = arith.extui %eq3A_84 : vector<2048x1xi1> to vector<2048x1xi32>
    %convert_element_type3A_86 = arith.sitofp %convert_element_type3A_85 : vector<2048x1xi32> to vector<2048x1xf32>
    %slice3A_87 = vector.extract_strided_slice %get3A_76 {offsets = [0, 0], sizes = [2048, 64], strides = [1, 1]} : vector<2048x128xf32> to vector<2048x64xf32>
    %mul3A_88 = vector.broadcast %convert_element_type3A_81 : vector<2048x1xf32> to vector<2048x64xf32>
    %mul3A_89 = arith.mulf %slice3A_87, %mul3A_88 : vector<2048x64xf32>
    %slice3A_90 = vector.extract_strided_slice %get3A_76 {offsets = [0, 64], sizes = [2048, 64], strides = [1, 1]} : vector<2048x128xf32> to vector<2048x64xf32>
    %mul3A_91 = vector.broadcast %convert_element_type3A_86 : vector<2048x1xf32> to vector<2048x64xf32>
    %mul3A_92 = arith.mulf %slice3A_90, %mul3A_91 : vector<2048x64xf32>
    %add3A_93 = arith.addf %mul3A_89, %mul3A_92 : vector<2048x64xf32>
    %get3A_94 = arith.constant 0 : index
    %get3A_95 = arith.constant 0 : index
    %get3A_96 = vector.load %arg3[%get3A_94, %get3A_95] : memref<2048x1xf32, #tpu.memory_space<vmem>>, vector<2048x1xf32>
    %sub3A_97 = arith.subf %get3A_1, %get3A_96 : vector<2048x1xf32>
    %max3A_98 = arith.constant 0.000000e+00 : f32
    %max3A_99 = vector.broadcast %max3A_98 : f32 to vector<2048x1xf32>
    %max3A_100 = arith.maximumf %sub3A_97, %max3A_99 : vector<2048x1xf32>
    %mul3A_101 = arith.constant -2.000000e-01 : f32
    %mul3A_102 = vector.broadcast %mul3A_101 : f32 to vector<2048x1xf32>
    %mul3A_103 = arith.mulf %mul3A_102, %max3A_100 : vector<2048x1xf32>
    %exp3A_104 = math.exp %mul3A_103 : vector<2048x1xf32>
    %mul3A_105 = vector.broadcast %exp3A_104 : vector<2048x1xf32> to vector<2048x64xf32>
    %mul3A_106 = arith.mulf %add3A_93, %mul3A_105 : vector<2048x64xf32>
    %get3A_107 = arith.constant 0 : index
    %get3A_108 = arith.constant 0 : index
    %get3A_109 = vector.load %arg9[%get3A_107, %get3A_108] : memref<2048x128xf32, #tpu.memory_space<vmem>>, vector<2048x128xf32>
    %get3A_110 = arith.constant 0 : index
    %get3A_111 = arith.constant 0 : index
    %get3A_112 = vector.load %arg10[%get3A_110, %get3A_111] : memref<128x64xf32, #tpu.memory_space<vmem>>, vector<128x64xf32>
    %dot_general3A_113 = arith.constant dense<0.000000e+00> : vector<2048x64xf32>
    %dot_general3A_114 = tpu.matmul %get3A_109, %get3A_112, %dot_general3A_113 {dimension_numbers = #tpu.dot_dimension_numbers<[1], [0], [0], [1], [0, 0, 1, 1], [], []>, transpose_lhs_hint = false} : vector<2048x128xf32>, vector<128x64xf32>, vector<2048x64xf32> -> vector<2048x64xf32>
    %get3A_115 = arith.constant 0 : index
    %get3A_116 = arith.constant 0 : index
    %get3A_117 = vector.load %arg11[%get3A_115, %get3A_116] : memref<1x64xf32, #tpu.memory_space<vmem>>, vector<1x64xf32>
    %add3A_118 = vector.broadcast %get3A_117 : vector<1x64xf32> to vector<2048x64xf32>
    %add3A_119 = arith.addf %dot_general3A_114, %add3A_118 : vector<2048x64xf32>
    %get3A_120 = arith.constant 0 : index
    %get3A_121 = arith.constant 0 : index
    %get3A_122 = vector.load %arg12[%get3A_120, %get3A_121] : memref<128x64xf32, #tpu.memory_space<vmem>>, vector<64x64xf32>
    %dot_general3A_123 = arith.constant dense<0.000000e+00> : vector<2048x64xf32>
    %dot_general3A_124 = tpu.matmul %mul3A_106, %get3A_122, %dot_general3A_123 {dimension_numbers = #tpu.dot_dimension_numbers<[1], [0], [0], [1], [0, 0, 1, 1], [], []>, transpose_lhs_hint = false} : vector<2048x64xf32>, vector<64x64xf32>, vector<2048x64xf32> -> vector<2048x64xf32>
    %get3A_125 = arith.constant 64 : index
    %get3A_126 = arith.constant 0 : index
    %get3A_127 = vector.load %arg12[%get3A_125, %get3A_126] : memref<128x64xf32, #tpu.memory_space<vmem>>, vector<64x64xf32>
    %dot_general3A_128 = arith.constant dense<0.000000e+00> : vector<2048x64xf32>
    %dot_general3A_129 = tpu.matmul %add3A_119, %get3A_127, %dot_general3A_128 {dimension_numbers = #tpu.dot_dimension_numbers<[1], [0], [0], [1], [0, 0, 1, 1], [], []>, transpose_lhs_hint = false} : vector<2048x64xf32>, vector<64x64xf32>, vector<2048x64xf32> -> vector<2048x64xf32>
    %add3A_130 = arith.addf %dot_general3A_124, %dot_general3A_129 : vector<2048x64xf32>
    %get3A_131 = arith.constant 0 : index
    %get3A_132 = arith.constant 0 : index
    %get3A_133 = vector.load %arg13[%get3A_131, %get3A_132] : memref<1x64xf32, #tpu.memory_space<vmem>>, vector<1x64xf32>
    %add3A_134 = vector.broadcast %get3A_133 : vector<1x64xf32> to vector<2048x64xf32>
    %add3A_135 = arith.addf %add3A_130, %add3A_134 : vector<2048x64xf32>
    %max3A_136 = arith.constant 0.000000e+00 : f32
    %max3A_137 = vector.broadcast %max3A_136 : f32 to vector<2048x64xf32>
    %max3A_138 = arith.maximumf %add3A_135, %max3A_137 : vector<2048x64xf32>
    %get3A_139 = arith.constant 0 : index
    %get3A_140 = arith.constant 0 : index
    %get3A_141 = vector.load %arg14[%get3A_139, %get3A_140] : memref<64x64xf32, #tpu.memory_space<vmem>>, vector<64x64xf32>
    %dot_general3A_142 = arith.constant dense<0.000000e+00> : vector<2048x64xf32>
    %dot_general3A_143 = tpu.matmul %max3A_138, %get3A_141, %dot_general3A_142 {dimension_numbers = #tpu.dot_dimension_numbers<[1], [0], [0], [1], [0, 0, 1, 1], [], []>, transpose_lhs_hint = false} : vector<2048x64xf32>, vector<64x64xf32>, vector<2048x64xf32> -> vector<2048x64xf32>
    %get3A_144 = arith.constant 0 : index
    %get3A_145 = arith.constant 0 : index
    %get3A_146 = vector.load %arg15[%get3A_144, %get3A_145] : memref<1x64xf32, #tpu.memory_space<vmem>>, vector<1x64xf32>
    %add3A_147 = vector.broadcast %get3A_146 : vector<1x64xf32> to vector<2048x64xf32>
    %add3A_148 = arith.addf %dot_general3A_143, %add3A_147 : vector<2048x64xf32>
    %swap3A = arith.constant 0 : index
    %swap3A_149 = arith.constant 0 : index
    %swap3A_150 = vector.load %arg21[%swap3A, %swap3A_149] : memref<2048x64xf32, #tpu.memory_space<vmem>>, vector<2048x64xf32>
    tpu.vector_store %arg21[%swap3A, %swap3A_149], %add3A_70 {strides = array<i32>} : memref<2048x64xf32, #tpu.memory_space<vmem>>, vector<2048x64xf32>,
    %swap3A_151 = arith.constant 0 : index
    %swap3A_152 = arith.constant 0 : index
    %swap3A_153 = vector.load %arg22[%swap3A_151, %swap3A_152] : memref<2048x64xf32, #tpu.memory_space<vmem>>, vector<2048x64xf32>
    tpu.vector_store %arg22[%swap3A_151, %swap3A_152], %add3A_148 {strides = array<i32>} : memref<2048x64xf32, #tpu.memory_space<vmem>>, vector<2048x64xf32>,
    %get3A_154 = arith.constant 0 : index
    %get3A_155 = arith.constant 0 : index
    %get3A_156 = vector.load %arg16[%get3A_154, %get3A_155] : memref<128x64xf32, #tpu.memory_space<vmem>>, vector<64x64xf32>
    %dot_general3A_157 = arith.constant dense<0.000000e+00> : vector<2048x64xf32>
    %dot_general3A_158 = tpu.matmul %add3A_70, %get3A_156, %dot_general3A_157 {dimension_numbers = #tpu.dot_dimension_numbers<[1], [0], [0], [1], [0, 0, 1, 1], [], []>, transpose_lhs_hint = false} : vector<2048x64xf32>, vector<64x64xf32>, vector<2048x64xf32> -> vector<2048x64xf32>
    %get3A_159 = arith.constant 64 : index
    %get3A_160 = arith.constant 0 : index
    %get3A_161 = vector.load %arg16[%get3A_159, %get3A_160] : memref<128x64xf32, #tpu.memory_space<vmem>>, vector<64x64xf32>
    %dot_general3A_162 = arith.constant dense<0.000000e+00> : vector<2048x64xf32>
    %dot_general3A_163 = tpu.matmul %add3A_148, %get3A_161, %dot_general3A_162 {dimension_numbers = #tpu.dot_dimension_numbers<[1], [0], [0], [1], [0, 0, 1, 1], [], []>, transpose_lhs_hint = false} : vector<2048x64xf32>, vector<64x64xf32>, vector<2048x64xf32> -> vector<2048x64xf32>
    %add3A_164 = arith.addf %dot_general3A_158, %dot_general3A_163 : vector<2048x64xf32>
    %get3A_165 = arith.constant 0 : index
    %get3A_166 = arith.constant 0 : index
    %get3A_167 = vector.load %arg17[%get3A_165, %get3A_166] : memref<1x64xf32, #tpu.memory_space<vmem>>, vector<1x64xf32>
    %add3A_168 = vector.broadcast %get3A_167 : vector<1x64xf32> to vector<2048x64xf32>
    %add3A_169 = arith.addf %add3A_164, %add3A_168 : vector<2048x64xf32>
    %max3A_170 = arith.constant 0.000000e+00 : f32
    %max3A_171 = vector.broadcast %max3A_170 : f32 to vector<2048x64xf32>
    %max3A_172 = arith.maximumf %add3A_169, %max3A_171 : vector<2048x64xf32>
    %get3A_173 = arith.constant 0 : index
    %get3A_174 = arith.constant 0 : index
    %get3A_175 = vector.load %arg18[%get3A_173, %get3A_174] : memref<64x1xf32, #tpu.memory_space<vmem>>, vector<64x1xf32>
    %dot_general3A_176 = arith.constant dense<0.000000e+00> : vector<2048x1xf32>
    %dot_general3A_177 = tpu.matmul %max3A_172, %get3A_175, %dot_general3A_176 {dimension_numbers = #tpu.dot_dimension_numbers<[1], [0], [0], [1], [0, 0, 1, 1], [], []>, transpose_lhs_hint = false} : vector<2048x64xf32>, vector<64x1xf32>, vector<2048x1xf32> -> vector<2048x1xf32>
    %get3A_178 = arith.constant 0 : index
    %get3A_179 = arith.constant 0 : index
    %get3A_180 = vector.load %arg19[%get3A_178, %get3A_179] : memref<1x1xf32, #tpu.memory_space<vmem>>, vector<1x1xf32>
    %add3A_181 = vector.broadcast %get3A_180 : vector<1x1xf32> to vector<2048x1xf32>
    %add3A_182 = arith.addf %dot_general3A_177, %add3A_181 : vector<2048x1xf32>
    %neg3A = arith.constant 0.000000e+00 : f32
    %neg3A_183 = vector.broadcast %neg3A : f32 to vector<2048x1xf32>
    %neg3A_184 = arith.subf %neg3A_183, %add3A_182 : vector<2048x1xf32>
    %exp3A_185 = math.exp %neg3A_184 : vector<2048x1xf32>
    %add3A_186 = arith.constant 1.000000e+00 : f32
    %add3A_187 = vector.broadcast %add3A_186 : f32 to vector<2048x1xf32>
    %add3A_188 = arith.addf %add3A_187, %exp3A_185 : vector<2048x1xf32>
    %div3A = arith.constant 1.000000e+00 : f32
    %div3A_189 = vector.broadcast %div3A : f32 to vector<2048x1xf32>
    %div3A_190 = arith.divf %div3A_189, %add3A_188 : vector<2048x1xf32>
    %swap3A_191 = arith.constant 0 : index
    %swap3A_192 = arith.constant 0 : index
    %swap3A_193 = vector.load %arg20[%swap3A_191, %swap3A_192] : memref<2048x1xf32, #tpu.memory_space<vmem>>, vector<2048x1xf32>
    tpu.vector_store %arg20[%swap3A_191, %swap3A_192], %div3A_190 {strides = array<i32>} : memref<2048x1xf32, #tpu.memory_space<vmem>>, vector<2048x1xf32>,
    return
  }
  func.func @transform_0(%arg0: i32) -> (i32, i32) {
    %c0_i32 = arith.constant 0 : i32
    %c0_i32_0 = arith.constant 0 : i32
    return %arg0, %c0_i32 : i32, i32
  }
  func.func @transform_1(%arg0: i32) -> (i32, i32) {
    %c0_i32 = arith.constant 0 : i32
    %c0_i32_0 = arith.constant 0 : i32
    return %arg0, %c0_i32 : i32, i32
  }
  func.func @transform_2(%arg0: i32) -> (i32, i32) {
    %c0_i32 = arith.constant 0 : i32
    %c0_i32_0 = arith.constant 0 : i32
    return %arg0, %c0_i32 : i32, i32
  }
  func.func @transform_3(%arg0: i32) -> (i32, i32) {
    %c0_i32 = arith.constant 0 : i32
    %c0_i32_0 = arith.constant 0 : i32
    return %arg0, %c0_i32 : i32, i32
  }
  func.func @transform_4(%arg0: i32) -> (i32, i32) {
    %c0_i32 = arith.constant 0 : i32
    %c0_i32_0 = arith.constant 0 : i32
    return %arg0, %c0_i32 : i32, i32
  }
  func.func @transform_5(%arg0: i32) -> (i32, i32) {
    %c0_i32 = arith.constant 0 : i32
    %c0_i32_0 = arith.constant 0 : i32
    return %arg0, %c0_i32 : i32, i32
  }
  func.func @transform_6(%arg0: i32) -> (i32, i32) {
    %c0_i32 = arith.constant 0 : i32
    %c0_i32_0 = arith.constant 0 : i32
    return %arg0, %c0_i32 : i32, i32
  }
  func.func @transform_7(%arg0: i32) -> (i32, i32) {
    %c0_i32 = arith.constant 0 : i32
    %c0_i32_0 = arith.constant 0 : i32
    return %arg0, %c0_i32 : i32, i32
  }
  func.func @transform_8(%arg0: i32) -> (i32, i32) {
    %c0_i32 = arith.constant 0 : i32
    %c0_i32_0 = arith.constant 0 : i32
    return %arg0, %c0_i32 : i32, i32
  }
  func.func @transform_9(%arg0: i32) -> (i32, i32) {
    %c0_i32 = arith.constant 0 : i32
    %c0_i32_0 = arith.constant 0 : i32
    %c0_i32_1 = arith.constant 0 : i32
    return %c0_i32, %c0_i32_0 : i32, i32
  }
  func.func @transform_10(%arg0: i32) -> (i32, i32) {
    %c0_i32 = arith.constant 0 : i32
    %c0_i32_0 = arith.constant 0 : i32
    %c0_i32_1 = arith.constant 0 : i32
    return %c0_i32, %c0_i32_0 : i32, i32
  }
  func.func @transform_11(%arg0: i32) -> (i32, i32) {
    %c0_i32 = arith.constant 0 : i32
    %c0_i32_0 = arith.constant 0 : i32
    %c0_i32_1 = arith.constant 0 : i32
    return %c0_i32, %c0_i32_0 : i32, i32
  }
  func.func @transform_12(%arg0: i32) -> (i32, i32) {
    %c0_i32 = arith.constant 0 : i32
    %c0_i32_0 = arith.constant 0 : i32
    %c0_i32_1 = arith.constant 0 : i32
    return %c0_i32, %c0_i32_0 : i32, i32
  }
  func.func @transform_13(%arg0: i32) -> (i32, i32) {
    %c0_i32 = arith.constant 0 : i32
    %c0_i32_0 = arith.constant 0 : i32
    %c0_i32_1 = arith.constant 0 : i32
    return %c0_i32, %c0_i32_0 : i32, i32
  }
  func.func @transform_14(%arg0: i32) -> (i32, i32) {
    %c0_i32 = arith.constant 0 : i32
    %c0_i32_0 = arith.constant 0 : i32
    %c0_i32_1 = arith.constant 0 : i32
    return %c0_i32, %c0_i32_0 : i32, i32
  }
  func.func @transform_15(%arg0: i32) -> (i32, i32) {
    %c0_i32 = arith.constant 0 : i32
    %c0_i32_0 = arith.constant 0 : i32
    %c0_i32_1 = arith.constant 0 : i32
    return %c0_i32, %c0_i32_0 : i32, i32
  }
  func.func @transform_16(%arg0: i32) -> (i32, i32) {
    %c0_i32 = arith.constant 0 : i32
    %c0_i32_0 = arith.constant 0 : i32
    %c0_i32_1 = arith.constant 0 : i32
    return %c0_i32, %c0_i32_0 : i32, i32
  }
  func.func @transform_17(%arg0: i32) -> (i32, i32) {
    %c0_i32 = arith.constant 0 : i32
    %c0_i32_0 = arith.constant 0 : i32
    %c0_i32_1 = arith.constant 0 : i32
    return %c0_i32, %c0_i32_0 : i32, i32
  }
  func.func @transform_18(%arg0: i32) -> (i32, i32) {
    %c0_i32 = arith.constant 0 : i32
    %c0_i32_0 = arith.constant 0 : i32
    %c0_i32_1 = arith.constant 0 : i32
    return %c0_i32, %c0_i32_0 : i32, i32
  }
  func.func @transform_19(%arg0: i32) -> (i32, i32) {
    %c0_i32 = arith.constant 0 : i32
    %c0_i32_0 = arith.constant 0 : i32
    return %arg0, %c0_i32 : i32, i32
  }
  func.func @transform_20(%arg0: i32) -> (i32, i32) {
    %c0_i32 = arith.constant 0 : i32
    %c0_i32_0 = arith.constant 0 : i32
    return %arg0, %c0_i32 : i32, i32
  }
  func.func @transform_21(%arg0: i32) -> (i32, i32) {
    %c0_i32 = arith.constant 0 : i32
    %c0_i32_0 = arith.constant 0 : i32
    return %arg0, %c0_i32 : i32, i32
  }
}

</mosaic_0001>

<sc_bundles>
// kernel: kernel.5.cloned.1.call-start
scs
__scs_entry_jumppad:
0x0: {  	(pc) =	sbr.rel $0x88, $3  }
0x1: {  	(tag) =	ssettag $0x0;
	lr =	simm.s32 $0x1  }
0x2: {  	[smem:$0x3F90] =	sst lr;
	_ =	strace $0xD0000000  }
0x3: {  	_ = 	snop  }
0x4: {  	_ = 	snop  }
0x5: {  	_ = 	snop  }
0x6: {  	_ = 	snop  }
0x7: {  	_ = 	snop  }
__scs_overlays_trampoline_lowered:
0x8: {  	[smem:$0x3F9F] =	sst s0  }
0x9: {  	[smem:$0x3FA0] =	sst s1  }
0xa: {  	[smem:$0x3FA1] =	sst s2  }
0xb: {  	[smem:$0x3FA2] =	sst s3  }
0xc: {  	[smem:$0x3FA3] =	sst s4  }
0xd: {  	[smem:$0x3FA4] =	sst s5  }
0xe: {  	[smem:$0x3FA5] =	sst s6  }
0xf: {  	[smem:$0x3FA6] =	sst s7  }
0x10: {  	[smem:$0x3FA7] =	sst s8  }
0x11: {  	[smem:$0x3FA8] =	sst s9;
	s0 =	simm.s32 @!p0 $0x0  }
0x12: {  	s1 =	sld [smem:$0x3F8E];
	s0 =	simm.s32 @p0 $0x1  }
0x13: {  	[smem:$0x3FA9] =	sst s0;
	s0 =	simm.s32 @!p1 $0x0  }
0x14: {  	s2 =	sld [smem:$0x3F8D];
	s0 =	simm.s32 @p1 $0x1  }
0x15: {  	[smem:$0x3FAA] =	sst s0;
	s0 =	simm.s32 @!p2 $0x0  }
0x16: {  	s3 =	sld [smem:$0x3FDB];
	s0 =	simm.s32 @p2 $0x1  }
0x17: {  	s4 =	simm.s32 $0x1BF5;
	[smem:$0x3FAC] =	sst s0  }
0x18: {  	s0 =	sld [smem:$0x3F8F];
	_ =	swait.ge [sflag:s4], $0x0  }
0x19: {  	s7 =	sld [smem:$0x3F90]  }
0x1a: {  	s8 =	sadd.s32 $0xFFFFE003, lr  }
0x1b: {  	s9 =	sadd.s32 $0xFFFFFEF7, lr;
	s5 =	simm.s32 $0xFFFFFFFF;
	p2 =	slt.u32 s8, $0xFFFFF086  }
0x1c: {  	p1 =	slt.u32 s9, $0xF7A;
	s5 =	simm.s32 @!p2 $0x0  }
0x1d: {  	s5 =	simm.s32 @p1 $0x1;
	p0 =	seq.s32 s7, s2  }
0x1e: {  	s7 =	smul.u32 @!p0 $0xF7A, s2;
	p2 =	seq.s32 @!p0 s5, $0x0  }
0x1f: {  	s9 =	smul.u32 $0xF7A, s1;
	s8 =	simm.s32 @!p0 $0x1BF5;
	p2 =	por !p2, p0  }
0x20: {  	[sflag:s8] =	ssyncset.s32 @!p0 $0xFFFFF086;
	s6 =	sadd.s32 @!p0 s3, s7;
	s7 =	simm.s32 @!p0 $0x108  }
0x21: {  	s3 =	sadd.s32 s3, s9;
	s6 =	sadd.s32 @!p0 $0x88, s6;
	s7 =	simm.s32 @p2 $0x1082  }
0x22: {  	[simem:s7], [sflag:s8] =	dma.local @!p0 [hbm:s6], $0xF7A  }
0x23: {  	s9 =	sor.u32 $0xD0000000, s2;
	s6 =	simm.s32 $0x108;
	_ =	swait.ge @!p0 [sflag:s8], $0x0  }
0x24: {  	s3 =	sadd.s32 $0x88, s3;
	s6 =	simm.s32 @!p1 $0x1082;
	[sflag:s4] =	ssyncset.s32 $0xFFFFF086  }
0x25: {  	[simem:s6], [sflag:s4] =	dma.local [hbm:s3], $0xF7A  }
0x26: {  	[smem:$0x3F90] =	sst s1;
	(tag) =	ssettag s2;
	_ =	strace s9  }
0x27: {  	s1 =	sld [smem:$0x3FA0]  }
0x28: {  	s2 =	sld [smem:$0x3FA1]  }
0x29: {  	s4 =	sld [smem:$0x3FA3]  }
0x2a: {  	p0 =	seq.s32 s5, $0x0;
	s5 =	sld [smem:$0x3FA4]  }
0x2b: {  	s6 =	sld [smem:$0x3FA5]  }
0x2c: {  	s7 =	sld [smem:$0x3FA6]  }
0x2d: {  	s3 =	simm.s32 $0x108;
	s8 =	sld [smem:$0x3FA7]  }
0x2e: {  	s3 =	simm.s32 @!p0 $0x1082;
	s9 =	sld [smem:$0x3FA8]  }
0x2f: {  	lr =	sadd.s32 s0, s3;
	s0 =	sld [smem:$0x3F9F]  }
0x30: {  	s3 =	sld [smem:$0x3FA2]  }
0x31: {  	[smem:$0x3FAB] =	sst s10  }
0x32: {  	s10 =	sld [smem:$0x3FA9];
	_ =	sdelay $0x3  }
0x33: {  	p0 =	seq.s32 s10, $0x1;
	s10 =	sld [smem:$0x3FAB];
	_ =	sdelay $0x3  }
0x34: {  	[smem:$0x3FAB] =	sst s10  }
0x35: {  	s10 =	sld [smem:$0x3FAA];
	_ =	sdelay $0x3  }
0x36: {  	p1 =	seq.s32 s10, $0x1;
	s10 =	sld [smem:$0x3FAB];
	_ =	sdelay $0x3  }
0x37: {  	[smem:$0x3FAB] =	sst s10  }
0x38: {  	s10 =	sld [smem:$0x3FAC]  }
0x39: {  	_ = 	snop;
	(pc) =	sbr.ind lr, $3  }
0x3a: {  	_ = 	snop  }
0x3b: {  	_ = 	snop  }
0x3c: {  	p2 =	seq.s32 s10, $0x1;
	s10 =	sld [smem:$0x3FAB]  }
0x3d: {  	_ =	shalt  }
0x3e: {  	_ =	shalt  }
0x3f: {  	_ =	shalt  }
0x40: {  	_ =	shalt  }
0x41: {  	_ =	shalt  }
0x42: {  	_ =	shalt  }
0x43: {  	_ =	shalt  }
0x44: {  	_ =	shalt  }
0x45: {  	_ =	shalt  }
0x46: {  	_ =	shalt  }
0x47: {  	_ =	shalt  }
0x48: {  	_ =	shalt  }
0x49: {  	_ =	shalt  }
0x4a: {  	_ =	shalt  }
0x4b: {  	_ =	shalt  }
0x4c: {  	_ =	shalt  }
0x4d: {  	_ =	shalt  }
0x4e: {  	_ =	shalt  }
0x4f: {  	_ =	shalt  }
0x50: {  	_ =	shalt  }
0x51: {  	_ =	shalt  }
0x52: {  	_ =	shalt  }
0x53: {  	_ =	shalt  }
0x54: {  	_ =	shalt  }
0x55: {  	_ =	shalt  }
0x56: {  	_ =	shalt  }
0x57: {  	_ =	shalt  }
0x58: {  	_ =	shalt  }
0x59: {  	_ =	shalt  }
0x5a: {  	_ =	shalt  }
0x5b: {  	_ =	shalt  }
0x5c: {  	_ =	shalt  }
0x5d: {  	_ =	shalt  }
0x5e: {  	_ =	shalt  }
0x5f: {  	_ =	shalt  }
0x60: {  	_ =	shalt  }
0x61: {  	_ =	shalt  }
0x62: {  	_ =	shalt  }
0x63: {  	_ =	shalt  }
0x64: {  	_ =	shalt  }
0x65: {  	_ =	shalt  }
0x66: {  	_ =	shalt  }
0x67: {  	_ =	shalt  }
0x68: {  	_ =	shalt  }
0x69: {  	_ =	shalt  }
0x6a: {  	_ =	shalt  }
0x6b: {  	_ =	shalt  }
0x6c: {  	_ =	shalt  }
0x6d: {  	_ =	shalt  }
0x6e: {  	_ =	shalt  }
0x6f: {  	_ =	shalt  }
0x70: {  	_ =	shalt  }
0x71: {  	_ =	shalt  }
0x72: {  	_ =	shalt  }
0x73: {  	_ =	shalt  }
0x74: {  	_ =	shalt  }
0x75: {  	_ =	shalt  }
0x76: {  	_ =	shalt  }
0x77: {  	_ =	shalt  }
0x78: {  	_ =	shalt  }
0x79: {  	_ =	shalt  }
0x7a: {  	_ =	shalt  }
0x7b: {  	_ =	shalt  }
0x7c: {  	_ =	shalt  }
0x7d: {  	_ =	shalt  }
0x7e: {  	_ =	shalt  }
0x7f: {  	_ =	shalt  }
0x80: {  	_ =	shalt  }
0x81: {  	_ =	shalt  }
0x82: {  	_ =	shalt  }
0x83: {  	_ =	shalt  }
0x84: {  	_ =	shalt  }
0x85: {  	_ =	shalt  }
0x86: {  	_ =	shalt  }
0x87: {  	_ =	shalt  }
.Lfunc_end0:
.L_simem_size_0:
called_computation_lowered:
.L_overlay_start_0:
0x88: {  	s2 =	sld [smem:$0x3FD9]  }
0x89: {  	s3 =	sld [smem:$0x3FFE];
	_ =	sdelay $0x1  }
0x8a: {  	s1 =	srdreg.scid  }
0x8b: {  	s0 =	sand.u32 $0x1, s1  }
0x8c: {  	s14 =	sshll.u32 s0, $0xA;
	s2 =	sadd.s32 s3, s2  }
0x8d: {  	s2 =	sadd.s32 s2, s14  }
0x8e: {  	[smem:$0x3FB7] =	sst s2  }
0x8f: {  	_ = 	snop  }
0x90: {  	s2 =	sld [smem:$0x3FD0]  }
0x91: {  	s15 =	sld [smem:$0x3FC9]  }
0x92: {  	s4 =	sld [smem:$0x3FC8]  }
0x93: {  	s6 =	simm.s32 $0xA;
	s7 =	simm.s32 $0x10;
	s5 =	sld [smem:$0x3FC3]  }
0x94: {  	[smem:s7], [sflag:s6] =	dma.local [hbm:s2], $0x1  }
0x95: {  	_ =	swait.eq [sflag:s6], $0x1  }
0x96: {  	s16 =	sld [smem:$0x10];
	[sflag:s6] =	ssyncset.done $0x0  }
0x97: {  	s17 =	sld [smem:$0x11];
	[sflag:s6] =	ssyncadd.s32 $0xFFFFFFFF  }
0x98: {  	s18 =	sld [smem:$0x12];
	(tm) =	ssettm $0x1  }
0x99: {  	s8 =	sld [smem:$0x3FFB];
	_ =	sdelay $0x3  }
0x9a: {  	_ =	strace s8  }
0x9b: {  	s8 =	sld [smem:$0x3FFC];
	_ =	sdelay $0x3  }
0x9c: {  	_ =	strace s8  }
0x9d: {  	s8 =	sld [smem:$0x3FFD];
	_ =	sdelay $0x3  }
0x9e: {  	_ =	strace s8  }
0x9f: {  	_ =	strace $0x8FFFFFFF  }
0xa0: {  	s19 =	sld [smem:$0x3FDB];
	_ =	sdelay $0x1  }
0xa1: {  	s9 =	simm.s32 $_scs_section_size  }
0xa2: {  	s10 =	simm.s32 $_size__tile_overlayer_lowered;
	s11 =	simm.s32 $_tile_overlayer_lowered  }
0xa3: {  	s22 =	simm.s32 $0x1BFF;
	s21 =	sshll.u32 s11, $0x1;
	s8 =	sadd.s32 s9, s19  }
0xa4: {  	s12 =	simm.s32 $0x0;
	s20 =	sshll.u32 s10, $0x1;
	s10 =	sadd.s32 s21, s8  }
0xa5: {  	[timem:s12], [sflag:s22] =	dma.local [hbm:s10], s20  }
0xa6: {  	_ =	swait.ge [sflag:s22], s20  }
0xa7: {  	s9 =	ssub.s32 $0x0, s20;
	[sflag:s22] =	ssyncset.done $0x0  }
0xa8: {  	[sflag:s22] =	ssyncadd.s32 s9;
	_ =	sdelay $0x1  }
0xa9: {  	s23 =	simm.s32 $0x1B8B  }
0xaa: {  	_ =	swait.ge [sflag:s23], $0x1  }
0xab: {  	[sflag:s23] =	ssyncset.done $0x0  }
0xac: {  	s25 =	simm.s32 $0x1B8E;
	s24 =	sld [smem:$0x3FFE];
	[sflag:s23] =	ssyncadd.s32 $0xFFFFFFFF  }
0xad: {  	s26 =	simm.s32 $execute0_lowered;
	[smem:$0x3FD2] =	sst s25  }
0xae: {  	s10 =	sshll.u32 s26, $0x1;
	_ =	strace $0x80000046;
	[dreg:$0x1] =	wrdreg $0xFFFFFFFF  }
0xaf: {  	s28 =	simm.s32 $_size_execute0_lowered;
	s8 =	sadd.s32 s8, s10;
	[dreg:$0x0] =	wrdreg $0x0  }
0xb0: {  	s10 =	sshll.u32 s28, $0x1;
	[dreg:$0x2] =	wrdreg s8  }
0xb1: {  	[dreg:$0x3] =	wrdreg s10  }
0xb2: {  	[dreg:$0x4] =	wrdreg $0xC0  }
0xb3: {  	_ =	task [dreg:s12], $0x5FFFF  }
0xb4: {  	[dreg:$0x1] =	wrdreg $0xFFFFFFFF  }
0xb5: {  	[dreg:$0x0] =	wrdreg $0x60  }
0xb6: {  	[dreg:$0x2] =	wrdreg s24  }
0xb7: {  	[dreg:$0x3] =	wrdreg s5  }
0xb8: {  	[dreg:$0x4] =	wrdreg s16  }
0xb9: {  	[dreg:$0x5] =	wrdreg s18  }
0xba: {  	[dreg:$0x6] =	wrdreg s15  }
0xbb: {  	[dreg:$0x7] =	wrdreg s4  }
0xbc: {  	[dreg:$0x8] =	wrdreg s17  }
0xbd: {  	[dreg:$0x9] =	wrdreg $0x9  }
0xbe: {  	_ =	task.clear_ibuf [dreg:s12], $0xAFFFF;
	_ =	strace $0x90000046  }
0xbf: {  	s29 =	simm.s32 $0x9;
	_ =	strace $0x80000048  }
0xc0: {  	_ =	swait.ge [sflag:s29], $0x1  }
0xc1: {  	[sflag:s29] =	ssyncadd.s32 $0xFFFFFFFF  }
0xc2: {  	_ =	strace $0x90000048  }
0xc3: {  	_ =	sfence  }
0xc4: {  	s30 =	sld [smem:$0x0];
	_ =	sdelay $0x2  }
0xc5: {  	s31 =	sshll.u32 s1, $0xD;
	s1 =	sshrl.u32 s1, $0x2  }
0xc6: {  	s3 =	sand.u32 $0x4000, s31;
	s1 =	sadd.s32 s1, s30  }
0xc7: {  	s0 =	sor.u32 s3, s0;
	s1 =	sshll.u32 s1, $0x11  }
0xc8: {  	s0 =	sor.u32 s1, s0  }
0xc9: {  	s0 =	sadd.s32 $0x8F2B, s0  }
0xca: {  	[sflag:s0] =	ssyncadd.remote.s32 $0x1  }
0xcb: {  	_ =	sfence.sel $0xFFFF  }
0xcc: {  	[dreg:$0x0] =	wrdreg $0xFFFFFFFF;
	(pc) =	sbr.abs _section_cstart, $3  }
0xcd: {  	[dreg:$0x1] =	wrdreg $0xFFFFFFFF  }
0xce: {  	_ =	task.clear_ibuf [dreg:s12], $0x2FFFF;
	_ =	strace $0x9FFFFFFF  }
0xcf: {  	(tm) =	ssettm $0x7FFFFFFF  }
tec
execute0_lowered:
.L_overlay_start_1:
0x0: {  	(tag) =	ssettag $0x1  }
0x1: {  	s0 =	rddreg [dreg:$0x0]  }
0x2: {  	s9 =	rddreg [dreg:$0x1]  }
0x3: {  	s1 =	rddreg [dreg:$0x2]  }
0x4: {  	s3 =	rddreg [dreg:$0x3]  }
0x5: {  	s4 =	rddreg [dreg:$0x4]  }
0x6: {  	s5 =	rddreg [dreg:$0x5];
	s2 =	srdreg.scid  }
0x7: {  	s7 =	stileid.u32;
	s6 =	rddreg [dreg:$0x6]  }
0x8: {  	s17 =	simm.s32 $0x200;
	s18 =	simm.s32 $0x400;
	s19 =	simm.s32 $0x280  }
0x9: {  	s20 =	simm.s32 $0x10680;
	s21 =	simm.s32 $0x480;
	s22 =	simm.s32 $0x10880  }
0xa: {  	s23 =	simm.s32 $0x300;
	s24 =	simm.s32 $0x10700;
	s28 =	simm.s32 $0x380  }
0xb: {  	s30 =	simm.s32 $0x10780;
	s29 =	simm.s32 $0x580;
	s31 =	simm.s32 $0x10980  }
0xc: {  	s8 =	sand.u32 $0x1, s2;
	s7 =	sshll.u32 s7, $0x1;
	s2 =	simm.s32 $0x0  }
0xd: {  	p0 =	por $0x0, $0x0;
	s7 =	sor.u32 s8, s7;
	[smem:$0x7FF] =	sst s2  }
0xe: {  	s12 =	ssub.s32 $0x2, s8;
	s8 =	simm.s32 $0x1;
	s10 =	sshll.u32 s7, $0x6  }
0xf: {  	_ =	strace $0x80000047;
	s7 =	sshll.u32 s7, $0xD;
	s14 =	sshrl.u32 s12, $0x1  }
0x10: {  	s4 =	sadd.s32 s4, s10;
	s25 =	sadd.s32 s5, s10;
	s26 =	sadd.s32 s7, s0  }
0x11: {  	s1 =	sadd.s32 s1, s10;
	s7 =	sadd.s32 $0xF44E00, s0;
	s0 =	sadd.s32 s10, s0  }
0x12: {  	s11 =	sadd.s32 s3, s10;
	s15 =	sadd.s32 s6, s10;
	[dreg:$0x8] =	wrdreg s4  }
0x13: {  	s10 =	simm.s32 $0x80;
	[dreg:$0x9] =	wrdreg s25;
	s4 =	sadd.s32 $0x3200, s26  }
0x14: {  	s6 =	simm.s32 $0x10600;
	[dreg:$0xb] =	wrdreg s4;
	s4 =	ssub.s32 s12, s14  }
0x15: {  	s5 =	simm.s32 $0x10800;
	[dreg:$0xa] =	wrdreg s1;
	s16 =	smax.u32 s4, $0x1  }
0x16: {  	[dreg:$0xc] =	wrdreg s11;
	s13 =	sadd.s32 $0x43200, s26;
	p1 =	sne.s32 s16, $0x1  }
.Ltmp0:
0x17: {  	[dreg:$0xe] =	wrdreg s15;
	s3 =	sadd.s32 $0x2A00, s0;
	(pc) =	sbr.rel @!p1 .LBB2_3-.Ltmp0, $4  }
0x18: {  	s25 =	simm.s32 $0x500;
	s26 =	simm.s32 $0x10900;
	s11 =	simm.s32 $0x600  }
0x19: {  	s15 =	simm.s32 $0x180;
	[dreg:$0xd] =	wrdreg s13;
	s12 =	simm.s32 $0x4600  }
0x1a: {  	s13 =	simm.s32 $0x100;
	s14 =	simm.s32 $0x8600;
	s0 =	rddreg [dreg:$0x8]  }
0x1b: {  	s4 =	simm.s32 $0x2;
	s1 =	sadd.s32 $0xFFFFFFFF, s16;
	s16 =	simm.s32 $0xC600  }
0x1c: {  	[tilespmem:s17], [sflag:$0x2] =	stream.linear.gather [hbm4b:s0+s2], $0x200, $0x38;
	[tilespmem:$0x10A00] =	vst v63  }
0x1d: {  	_ =	swait.ge [sflag:s4], $0x200  }
0x1e: {  	[sflag:s4] =	ssyncset.done $0x0  }
0x1f: {  	s0 =	rddreg [dreg:$0x9];
	[sflag:s4] =	ssyncadd.s32 $0xFFFFFE00  }
0x20: {  	[tilespmem:s18], [sflag:$0x2] =	stream.linear.gather [hbm4b:s0+s2], $0x200, $0x38;
	[tilespmem:$0x10A00] =	vst v63  }
0x21: {  	_ =	swait.ge [sflag:s4], $0x200  }
0x22: {  	[sflag:s4] =	ssyncset.done $0x0  }
0x23: {  	[sflag:s4] =	ssyncadd.s32 $0xFFFFFE00  }
0x24: {  	[tilespmem:s6], [sflag:$0x1] =	stream.indirect.gather [hbm4b:s9+s10], $0x1, s17, s10, $0xb8;
	[tilespmem:$0x10A00] =	vst v63  }
0x25: {  	_ = 	snop  }
0x26: {  	[tilespmem:s5], [sflag:$0x1] =	stream.indirect.gather [hbm4b:s9+s10], $0x1, s18, s10, $0xb8;
	[tilespmem:$0x10A00] =	vst v63  }
0x27: {  	_ = 	snop  }
0x28: {  	[tilespmem:s20], [sflag:$0x1] =	stream.indirect.gather [hbm4b:s9+s10], $0x1, s19, s10, $0xb8;
	[tilespmem:$0x10A00] =	vst v63  }
0x29: {  	_ = 	snop  }
0x2a: {  	[tilespmem:s22], [sflag:$0x1] =	stream.indirect.gather [hbm4b:s9+s10], $0x1, s21, s10, $0xb8;
	[tilespmem:$0x10A00] =	vst v63  }
0x2b: {  	_ = 	snop  }
0x2c: {  	[tilespmem:s24], [sflag:$0x1] =	stream.indirect.gather [hbm4b:s9+s10], $0x1, s23, s10, $0xb8;
	[tilespmem:$0x10A00] =	vst v63  }
0x2d: {  	_ = 	snop  }
0x2e: {  	[tilespmem:s26], [sflag:$0x1] =	stream.indirect.gather [hbm4b:s9+s10], $0x1, s25, s10, $0xb8;
	[tilespmem:$0x10A00] =	vst v63  }
0x2f: {  	_ = 	snop  }
0x30: {  	[tilespmem:s30], [sflag:$0x1] =	stream.indirect.gather [hbm4b:s9+s10], $0x1, s28, s10, $0xb8;
	[tilespmem:$0x10A00] =	vst v63  }
0x31: {  	_ = 	snop  }
0x32: {  	[tilespmem:s31], [sflag:$0x1] =	stream.indirect.gather [hbm4b:s9+s10], $0x1, s29, s10, $0xb8;
	[tilespmem:$0x10A00] =	vst v63  }
0x33: {  	s0 =	rddreg [dreg:$0xa]  }
0x34: {  	[tilespmem:s2], [sflag:$0x2] =	stream.linear.gather [hbm4b:s0+s2], $0x200, $0x38;
	[tilespmem:$0x10A00] =	vst v63  }
0x35: {  	_ =	swait.ge [sflag:s4], $0x200  }
0x36: {  	[sflag:s4] =	ssyncset.done $0x0  }
0x37: {  	[sflag:s4] =	ssyncadd.s32 $0xFFFFFE00  }
0x38: {  	[tilespmem:s11], [sflag:$0x1] =	stream.indirect.gather [hbm4b:s7+s10], $0x80, s2, s10, $0xb8;
	[tilespmem:$0x10A00] =	vst v63  }
0x39: {  	_ = 	snop  }
0x3a: {  	[tilespmem:s12], [sflag:$0x1] =	stream.indirect.gather [hbm4b:s7+s10], $0x80, s10, s10, $0xb8;
	[tilespmem:$0x10A00] =	vst v63  }
0x3b: {  	_ = 	snop  }
0x3c: {  	[tilespmem:s14], [sflag:$0x1] =	stream.indirect.gather [hbm4b:s7+s10], $0x80, s13, s10, $0xb8;
	[tilespmem:$0x10A00] =	vst v63  }
0x3d: {  	_ = 	snop  }
0x3e: {  	[tilespmem:s16], [sflag:$0x1] =	stream.indirect.gather [hbm4b:s7+s10], $0x80, s15, s10, $0xb8;
	[tilespmem:$0x10A00] =	vst v63  }
0x3f: {  	_ =	swait.ge [sflag:s8], $0x4000  }
0x40: {  	[sflag:s8] =	ssyncset.done $0x0  }
0x41: {  	[sflag:s8] =	ssyncadd.s32 $0xFFFFC000  }
0x42: {  	_ =	swait.ge [sflag:s8], $0x4000  }
0x43: {  	[sflag:s8] =	ssyncset.done $0x0  }
0x44: {  	[sflag:s8] =	ssyncadd.s32 $0xFFFFC000  }
0x45: {  	_ =	swait.ge [sflag:s8], $0x4000  }
0x46: {  	[sflag:s8] =	ssyncset.done $0x0  }
0x47: {  	[sflag:s8] =	ssyncadd.s32 $0xFFFFC000  }
0x48: {  	_ =	swait.ge [sflag:s8], $0x4000  }
0x49: {  	[sflag:s8] =	ssyncset.done $0x0  }
0x4a: {  	s0 =	rddreg [dreg:$0xb];
	[sflag:s8] =	ssyncadd.s32 $0xFFFFC000  }
0x4b: {  	[hbm4b:s0+s2] =	stream.linear.scatter [tilespmem:s11], [sflag:$0x2], $0x10000, $0x38;
	[tilespmem:$0x10A00] =	vst v63  }
0x4c: {  	_ =	swait.ge [sflag:s4], $0x10000  }
0x4d: {  	[sflag:s4] =	ssyncset.done $0x0  }
0x4e: {  	s0 =	rddreg [dreg:$0xc];
	[sflag:s4] =	ssyncadd.s32 $0xFFFF0000  }
0x4f: {  	[tilespmem:s2], [sflag:$0x2] =	stream.linear.gather [hbm4b:s0+s2], $0x200, $0x38;
	[tilespmem:$0x10A00] =	vst v63  }
0x50: {  	_ =	swait.ge [sflag:s4], $0x200  }
0x51: {  	[sflag:s4] =	ssyncset.done $0x0  }
0x52: {  	[sflag:s4] =	ssyncadd.s32 $0xFFFFFE00  }
0x53: {  	[tilespmem:s11], [sflag:$0x1] =	stream.indirect.gather [hbm4b:s7+s10], $0x80, s2, s10, $0xb8;
	[tilespmem:$0x10A00] =	vst v63  }
0x54: {  	_ = 	snop  }
0x55: {  	[tilespmem:s12], [sflag:$0x1] =	stream.indirect.gather [hbm4b:s7+s10], $0x80, s10, s10, $0xb8;
	[tilespmem:$0x10A00] =	vst v63  }
0x56: {  	_ = 	snop  }
0x57: {  	[tilespmem:s14], [sflag:$0x1] =	stream.indirect.gather [hbm4b:s7+s10], $0x80, s13, s10, $0xb8;
	[tilespmem:$0x10A00] =	vst v63  }
0x58: {  	_ = 	snop  }
0x59: {  	[tilespmem:s16], [sflag:$0x1] =	stream.indirect.gather [hbm4b:s7+s10], $0x80, s15, s10, $0xb8;
	[tilespmem:$0x10A00] =	vst v63  }
0x5a: {  	_ =	swait.ge [sflag:s8], $0x4000  }
0x5b: {  	[sflag:s8] =	ssyncset.done $0x0  }
0x5c: {  	[sflag:s8] =	ssyncadd.s32 $0xFFFFC000  }
0x5d: {  	_ =	swait.ge [sflag:s8], $0x4000  }
0x5e: {  	[sflag:s8] =	ssyncset.done $0x0  }
0x5f: {  	[sflag:s8] =	ssyncadd.s32 $0xFFFFC000  }
0x60: {  	_ =	swait.ge [sflag:s8], $0x4000  }
0x61: {  	[sflag:s8] =	ssyncset.done $0x0  }
0x62: {  	[sflag:s8] =	ssyncadd.s32 $0xFFFFC000  }
0x63: {  	_ =	swait.ge [sflag:s8], $0x4000  }
0x64: {  	[sflag:s8] =	ssyncset.done $0x0  }
0x65: {  	s0 =	rddreg [dreg:$0xd];
	[sflag:s8] =	ssyncadd.s32 $0xFFFFC000  }
0x66: {  	[hbm4b:s0+s2] =	stream.linear.scatter [tilespmem:s11], [sflag:$0x2], $0x10000, $0x38;
	[tilespmem:$0x10A00] =	vst v63  }
0x67: {  	_ =	swait.ge [sflag:s4], $0x10000  }
0x68: {  	[sflag:s4] =	ssyncset.done $0x0  }
0x69: {  	[sflag:s4] =	ssyncadd.s32 $0xFFFF0000  }
0x6a: {  	_ =	swait.ge [sflag:s8], $0x80  }
0x6b: {  	[sflag:s8] =	ssyncset.done $0x0  }
0x6c: {  	[sflag:s8] =	ssyncadd.s32 $0xFFFFFF80  }
0x6d: {  	_ =	swait.ge [sflag:s8], $0x80  }
0x6e: {  	[sflag:s8] =	ssyncset.done $0x0  }
0x6f: {  	[sflag:s8] =	ssyncadd.s32 $0xFFFFFF80  }
0x70: {  	_ =	swait.ge [sflag:s8], $0x80  }
0x71: {  	[sflag:s8] =	ssyncset.done $0x0  }
0x72: {  	[sflag:s8] =	ssyncadd.s32 $0xFFFFFF80  }
0x73: {  	_ =	swait.ge [sflag:s8], $0x80  }
0x74: {  	[sflag:s8] =	ssyncset.done $0x0  }
0x75: {  	[sflag:s8] =	ssyncadd.s32 $0xFFFFFF80  }
0x76: {  	_ =	swait.ge [sflag:s8], $0x80  }
0x77: {  	[sflag:s8] =	ssyncset.done $0x0  }
0x78: {  	[sflag:s8] =	ssyncadd.s32 $0xFFFFFF80  }
0x79: {  	_ =	swait.ge [sflag:s8], $0x80  }
0x7a: {  	[sflag:s8] =	ssyncset.done $0x0  }
0x7b: {  	[sflag:s8] =	ssyncadd.s32 $0xFFFFFF80  }
0x7c: {  	_ =	swait.ge [sflag:s8], $0x80  }
0x7d: {  	[sflag:s8] =	ssyncset.done $0x0  }
0x7e: {  	[sflag:s8] =	ssyncadd.s32 $0xFFFFFF80  }
0x7f: {  	_ =	swait.ge [sflag:s8], $0x80  }
0x80: {  	[sflag:s8] =	ssyncset.done $0x0  }
0x81: {  	s0 =	rddreg [dreg:$0xe];
	[sflag:s8] =	ssyncadd.s32 $0xFFFFFF80  }
0x82: {  	[hbm4b:s0+s2] =	stream.linear.scatter [tilespmem:s6], [sflag:$0x2], $0x200, $0x38;
	[tilespmem:$0x10A00] =	vst v63  }
0x83: {  	p1 =	sne.s32 s1, $0x1;
	_ =	swait.ge [sflag:s4], $0x200  }
.Ltmp1:
0x84: {  	[sflag:s4] =	ssyncset.done $0x0;
	(pc) =	sbr.rel @!p1 .LBB2_3-.Ltmp1, $4  }
0x85: {  	[sflag:s4] =	ssyncadd.s32 $0xFFFFFE00  }
0x86: {  	[hbm4b:s3+s2] =	stream.linear.scatter [tilespmem:s5], [sflag:$0x2], $0x200, $0x38;
	[tilespmem:$0x10A00] =	vst v63  }
0x87: {  	s1 =	sadd.s32 $0xFFFFFFFF, s1;
	_ =	swait.ge [sflag:s4], $0x200  }
0x88: {  	p0 =	por $0x1, $0x1;
	s0 =	rddreg [dreg:$0x8];
	[sflag:s4] =	ssyncset.done $0x0  }
.LBB2_2:
0x89: {  	[sflag:s4] =	ssyncadd.s32 $0xFFFFFE00  }
0x8a: {  	[tilespmem:s17], [sflag:$0x2] =	stream.linear.gather [hbm4b:s0+s2], $0x200, $0x38;
	[tilespmem:$0x10A00] =	vst v63  }
0x8b: {  	_ =	swait.ge [sflag:s4], $0x200  }
0x8c: {  	[sflag:s4] =	ssyncset.done $0x0  }
0x8d: {  	s0 =	rddreg [dreg:$0x9];
	[sflag:s4] =	ssyncadd.s32 $0xFFFFFE00  }
0x8e: {  	[tilespmem:s18], [sflag:$0x2] =	stream.linear.gather [hbm4b:s0+s2], $0x200, $0x38;
	[tilespmem:$0x10A00] =	vst v63  }
0x8f: {  	_ =	swait.ge [sflag:s4], $0x200  }
0x90: {  	[sflag:s4] =	ssyncset.done $0x0  }
0x91: {  	[sflag:s4] =	ssyncadd.s32 $0xFFFFFE00  }
0x92: {  	[tilespmem:s6], [sflag:$0x1] =	stream.indirect.gather [hbm4b:s9+s10], $0x1, s17, s10, $0xb8;
	[tilespmem:$0x10A00] =	vst v63  }
0x93: {  	_ = 	snop  }
0x94: {  	[tilespmem:s5], [sflag:$0x1] =	stream.indirect.gather [hbm4b:s9+s10], $0x1, s18, s10, $0xb8;
	[tilespmem:$0x10A00] =	vst v63  }
0x95: {  	_ = 	snop  }
0x96: {  	[tilespmem:s20], [sflag:$0x1] =	stream.indirect.gather [hbm4b:s9+s10], $0x1, s19, s10, $0xb8;
	[tilespmem:$0x10A00] =	vst v63  }
0x97: {  	_ = 	snop  }
0x98: {  	[tilespmem:s22], [sflag:$0x1] =	stream.indirect.gather [hbm4b:s9+s10], $0x1, s21, s10, $0xb8;
	[tilespmem:$0x10A00] =	vst v63  }
0x99: {  	_ = 	snop  }
0x9a: {  	[tilespmem:s24], [sflag:$0x1] =	stream.indirect.gather [hbm4b:s9+s10], $0x1, s23, s10, $0xb8;
	[tilespmem:$0x10A00] =	vst v63  }
0x9b: {  	_ = 	snop  }
0x9c: {  	[tilespmem:s26], [sflag:$0x1] =	stream.indirect.gather [hbm4b:s9+s10], $0x1, s25, s10, $0xb8;
	[tilespmem:$0x10A00] =	vst v63  }
0x9d: {  	_ = 	snop  }
0x9e: {  	[tilespmem:s30], [sflag:$0x1] =	stream.indirect.gather [hbm4b:s9+s10], $0x1, s28, s10, $0xb8;
	[tilespmem:$0x10A00] =	vst v63  }
0x9f: {  	_ = 	snop  }
0xa0: {  	[tilespmem:s31], [sflag:$0x1] =	stream.indirect.gather [hbm4b:s9+s10], $0x1, s29, s10, $0xb8;
	[tilespmem:$0x10A00] =	vst v63  }
0xa1: {  	s0 =	rddreg [dreg:$0xa]  }
0xa2: {  	[tilespmem:s2], [sflag:$0x2] =	stream.linear.gather [hbm4b:s0+s2], $0x200, $0x38;
	[tilespmem:$0x10A00] =	vst v63  }
0xa3: {  	_ =	swait.ge [sflag:s4], $0x200  }
0xa4: {  	[sflag:s4] =	ssyncset.done $0x0  }
0xa5: {  	[sflag:s4] =	ssyncadd.s32 $0xFFFFFE00  }
0xa6: {  	[tilespmem:s11], [sflag:$0x1] =	stream.indirect.gather [hbm4b:s7+s10], $0x80, s2, s10, $0xb8;
	[tilespmem:$0x10A00] =	vst v63  }
0xa7: {  	_ = 	snop  }
0xa8: {  	[tilespmem:s12], [sflag:$0x1] =	stream.indirect.gather [hbm4b:s7+s10], $0x80, s10, s10, $0xb8;
	[tilespmem:$0x10A00] =	vst v63  }
0xa9: {  	_ = 	snop  }
0xaa: {  	[tilespmem:s14], [sflag:$0x1] =	stream.indirect.gather [hbm4b:s7+s10], $0x80, s13, s10, $0xb8;
	[tilespmem:$0x10A00] =	vst v63  }
0xab: {  	_ = 	snop  }
0xac: {  	[tilespmem:s16], [sflag:$0x1] =	stream.indirect.gather [hbm4b:s7+s10], $0x80, s15, s10, $0xb8;
	[tilespmem:$0x10A00] =	vst v63  }
0xad: {  	_ =	swait.ge [sflag:s8], $0x4000  }
0xae: {  	[sflag:s8] =	ssyncset.done $0x0  }
0xaf: {  	[sflag:s8] =	ssyncadd.s32 $0xFFFFC000  }
0xb0: {  	_ =	swait.ge [sflag:s8], $0x4000  }
0xb1: {  	[sflag:s8] =	ssyncset.done $0x0  }
0xb2: {  	[sflag:s8] =	ssyncadd.s32 $0xFFFFC000  }
0xb3: {  	_ =	swait.ge [sflag:s8], $0x4000  }
0xb4: {  	[sflag:s8] =	ssyncset.done $0x0  }
0xb5: {  	[sflag:s8] =	ssyncadd.s32 $0xFFFFC000  }
0xb6: {  	_ =	swait.ge [sflag:s8], $0x4000  }
0xb7: {  	[sflag:s8] =	ssyncset.done $0x0  }
0xb8: {  	s0 =	rddreg [dreg:$0xb];
	[sflag:s8] =	ssyncadd.s32 $0xFFFFC000  }
0xb9: {  	[hbm4b:s0+s2] =	stream.linear.scatter [tilespmem:s11], [sflag:$0x2], $0x10000, $0x38;
	[tilespmem:$0x10A00] =	vst v63  }
0xba: {  	_ =	swait.ge [sflag:s4], $0x10000  }
0xbb: {  	[sflag:s4] =	ssyncset.done $0x0  }
0xbc: {  	s0 =	rddreg [dreg:$0xc];
	[sflag:s4] =	ssyncadd.s32 $0xFFFF0000  }
0xbd: {  	[tilespmem:s2], [sflag:$0x2] =	stream.linear.gather [hbm4b:s0+s2], $0x200, $0x38;
	[tilespmem:$0x10A00] =	vst v63  }
0xbe: {  	_ =	swait.ge [sflag:s4], $0x200  }
0xbf: {  	[sflag:s4] =	ssyncset.done $0x0  }
0xc0: {  	[sflag:s4] =	ssyncadd.s32 $0xFFFFFE00  }
0xc1: {  	[tilespmem:s11], [sflag:$0x1] =	stream.indirect.gather [hbm4b:s7+s10], $0x80, s2, s10, $0xb8;
	[tilespmem:$0x10A00] =	vst v63  }
0xc2: {  	_ = 	snop  }
0xc3: {  	[tilespmem:s12], [sflag:$0x1] =	stream.indirect.gather [hbm4b:s7+s10], $0x80, s10, s10, $0xb8;
	[tilespmem:$0x10A00] =	vst v63  }
0xc4: {  	_ = 	snop  }
0xc5: {  	[tilespmem:s14], [sflag:$0x1] =	stream.indirect.gather [hbm4b:s7+s10], $0x80, s13, s10, $0xb8;
	[tilespmem:$0x10A00] =	vst v63  }
0xc6: {  	_ = 	snop  }
0xc7: {  	[tilespmem:s16], [sflag:$0x1] =	stream.indirect.gather [hbm4b:s7+s10], $0x80, s15, s10, $0xb8;
	[tilespmem:$0x10A00] =	vst v63  }
0xc8: {  	_ =	swait.ge [sflag:s8], $0x4000  }
0xc9: {  	[sflag:s8] =	ssyncset.done $0x0  }
0xca: {  	[sflag:s8] =	ssyncadd.s32 $0xFFFFC000  }
0xcb: {  	_ =	swait.ge [sflag:s8], $0x4000  }
0xcc: {  	[sflag:s8] =	ssyncset.done $0x0  }
0xcd: {  	[sflag:s8] =	ssyncadd.s32 $0xFFFFC000  }
0xce: {  	_ =	swait.ge [sflag:s8], $0x4000  }
0xcf: {  	[sflag:s8] =	ssyncset.done $0x0  }
0xd0: {  	[sflag:s8] =	ssyncadd.s32 $0xFFFFC000  }
0xd1: {  	_ =	swait.ge [sflag:s8], $0x4000  }
0xd2: {  	[sflag:s8] =	ssyncset.done $0x0  }
0xd3: {  	s0 =	rddreg [dreg:$0xd];
	[sflag:s8] =	ssyncadd.s32 $0xFFFFC000  }
0xd4: {  	[hbm4b:s0+s2] =	stream.linear.scatter [tilespmem:s11], [sflag:$0x2], $0x10000, $0x38;
	[tilespmem:$0x10A00] =	vst v63  }
0xd5: {  	_ =	swait.ge [sflag:s4], $0x10000  }
0xd6: {  	[sflag:s4] =	ssyncset.done $0x0  }
0xd7: {  	[sflag:s4] =	ssyncadd.s32 $0xFFFF0000  }
0xd8: {  	_ =	swait.ge [sflag:s8], $0x80  }
0xd9: {  	[sflag:s8] =	ssyncset.done $0x0  }
0xda: {  	[sflag:s8] =	ssyncadd.s32 $0xFFFFFF80  }
0xdb: {  	_ =	swait.ge [sflag:s8], $0x80  }
0xdc: {  	[sflag:s8] =	ssyncset.done $0x0  }
0xdd: {  	[sflag:s8] =	ssyncadd.s32 $0xFFFFFF80  }
0xde: {  	_ =	swait.ge [sflag:s8], $0x80  }
0xdf: {  	[sflag:s8] =	ssyncset.done $0x0  }
0xe0: {  	[sflag:s8] =	ssyncadd.s32 $0xFFFFFF80  }
0xe1: {  	_ =	swait.ge [sflag:s8], $0x80  }
0xe2: {  	[sflag:s8] =	ssyncset.done $0x0  }
0xe3: {  	[sflag:s8] =	ssyncadd.s32 $0xFFFFFF80  }
0xe4: {  	_ =	swait.ge [sflag:s8], $0x80  }
0xe5: {  	[sflag:s8] =	ssyncset.done $0x0  }
0xe6: {  	[sflag:s8] =	ssyncadd.s32 $0xFFFFFF80  }
0xe7: {  	_ =	swait.ge [sflag:s8], $0x80  }
0xe8: {  	[sflag:s8] =	ssyncset.done $0x0  }
0xe9: {  	[sflag:s8] =	ssyncadd.s32 $0xFFFFFF80  }
0xea: {  	_ =	swait.ge [sflag:s8], $0x80  }
0xeb: {  	[sflag:s8] =	ssyncset.done $0x0  }
0xec: {  	[sflag:s8] =	ssyncadd.s32 $0xFFFFFF80  }
0xed: {  	_ =	swait.ge [sflag:s8], $0x80  }
0xee: {  	[sflag:s8] =	ssyncset.done $0x0  }
0xef: {  	s0 =	rddreg [dreg:$0xe];
	[sflag:s8] =	ssyncadd.s32 $0xFFFFFF80  }
0xf0: {  	[hbm4b:s0+s2] =	stream.linear.scatter [tilespmem:s6], [sflag:$0x2], $0x200, $0x38;
	[tilespmem:$0x10A00] =	vst v63  }
0xf1: {  	p1 =	sne.s32 s1, $0x1;
	_ =	swait.ge [sflag:s4], $0x200  }
.Ltmp2:
0xf2: {  	[sflag:s4] =	ssyncset.done $0x0;
	(pc) =	sbr.rel @p1 .LBB2_2-.Ltmp2, $4  }
0xf3: {  	[sflag:s4] =	ssyncadd.s32 $0xFFFFFE00  }
0xf4: {  	[hbm4b:s3+s2] =	stream.linear.scatter [tilespmem:s5], [sflag:$0x2], $0x200, $0x38;
	[tilespmem:$0x10A00] =	vst v63  }
0xf5: {  	_ =	swait.ge [sflag:s4], $0x200  }
0xf6: {  	s1 =	sadd.s32 $0xFFFFFFFF, s1;
	s0 =	rddreg [dreg:$0x8];
	[sflag:s4] =	ssyncset.done $0x0  }
.LBB2_3:
0xf7: {  	[sflag:s4] =	ssyncadd.s32 @p0 $0xFFFFFE00  }
0xf8: {  	[tilespmem:s17], [sflag:$0x2] =	stream.linear.gather [hbm4b:s0+s2], $0x200, $0x38;
	[tilespmem:$0x10A00] =	vst v63  }
0xf9: {  	_ =	swait.ge [sflag:s4], $0x200  }
0xfa: {  	[sflag:s4] =	ssyncset.done $0x0  }
0xfb: {  	s1 =	rddreg [dreg:$0x9];
	[sflag:s4] =	ssyncadd.s32 $0xFFFFFE00  }
0xfc: {  	[tilespmem:s18], [sflag:$0x2] =	stream.linear.gather [hbm4b:s1+s2], $0x200, $0x38;
	[tilespmem:$0x10A00] =	vst v63  }
0xfd: {  	_ =	swait.ge [sflag:s4], $0x200  }
0xfe: {  	[sflag:s4] =	ssyncset.done $0x0  }
0xff: {  	[sflag:s4] =	ssyncadd.s32 $0xFFFFFE00  }
0x100: {  	[tilespmem:s6], [sflag:$0x1] =	stream.indirect.gather [hbm4b:s9+s10], $0x1, s17, s10, $0xb8;
	[tilespmem:$0x10A00] =	vst v63  }
0x101: {  	_ = 	snop  }
0x102: {  	[tilespmem:s5], [sflag:$0x1] =	stream.indirect.gather [hbm4b:s9+s10], $0x1, s18, s10, $0xb8;
	[tilespmem:$0x10A00] =	vst v63  }
0x103: {  	_ = 	snop  }
0x104: {  	[tilespmem:s20], [sflag:$0x1] =	stream.indirect.gather [hbm4b:s9+s10], $0x1, s19, s10, $0xb8;
	[tilespmem:$0x10A00] =	vst v63  }
0x105: {  	_ = 	snop  }
0x106: {  	[tilespmem:s22], [sflag:$0x1] =	stream.indirect.gather [hbm4b:s9+s10], $0x1, s21, s10, $0xb8;
	[tilespmem:$0x10A00] =	vst v63  }
0x107: {  	_ = 	snop  }
0x108: {  	[tilespmem:s24], [sflag:$0x1] =	stream.indirect.gather [hbm4b:s9+s10], $0x1, s23, s10, $0xb8;
	[tilespmem:$0x10A00] =	vst v63  }
0x109: {  	_ = 	snop  }
0x10a: {  	[tilespmem:s26], [sflag:$0x1] =	stream.indirect.gather [hbm4b:s9+s10], $0x1, s25, s10, $0xb8;
	[tilespmem:$0x10A00] =	vst v63  }
0x10b: {  	_ = 	snop  }
0x10c: {  	[tilespmem:s30], [sflag:$0x1] =	stream.indirect.gather [hbm4b:s9+s10], $0x1, s28, s10, $0xb8;
	[tilespmem:$0x10A00] =	vst v63  }
0x10d: {  	_ = 	snop  }
0x10e: {  	[tilespmem:s31], [sflag:$0x1] =	stream.indirect.gather [hbm4b:s9+s10], $0x1, s29, s10, $0xb8;
	[tilespmem:$0x10A00] =	vst v63  }
0x10f: {  	s25 =	rddreg [dreg:$0xa]  }
0x110: {  	[tilespmem:s2], [sflag:$0x2] =	stream.linear.gather [hbm4b:s25+s2], $0x200, $0x38;
	[tilespmem:$0x10A00] =	vst v63  }
0x111: {  	_ =	swait.ge [sflag:s4], $0x200  }
0x112: {  	[sflag:s4] =	ssyncset.done $0x0  }
0x113: {  	[sflag:s4] =	ssyncadd.s32 $0xFFFFFE00  }
0x114: {  	[tilespmem:s11], [sflag:$0x1] =	stream.indirect.gather [hbm4b:s7+s10], $0x80, s2, s10, $0xb8;
	[tilespmem:$0x10A00] =	vst v63  }
0x115: {  	_ = 	snop  }
0x116: {  	[tilespmem:s12], [sflag:$0x1] =	stream.indirect.gather [hbm4b:s7+s10], $0x80, s10, s10, $0xb8;
	[tilespmem:$0x10A00] =	vst v63  }
0x117: {  	_ = 	snop  }
0x118: {  	[tilespmem:s14], [sflag:$0x1] =	stream.indirect.gather [hbm4b:s7+s10], $0x80, s13, s10, $0xb8;
	[tilespmem:$0x10A00] =	vst v63  }
0x119: {  	_ = 	snop  }
0x11a: {  	[tilespmem:s16], [sflag:$0x1] =	stream.indirect.gather [hbm4b:s7+s10], $0x80, s15, s10, $0xb8;
	[tilespmem:$0x10A00] =	vst v63  }
0x11b: {  	_ =	swait.ge [sflag:s8], $0x4000  }
0x11c: {  	[sflag:s8] =	ssyncset.done $0x0  }
0x11d: {  	[sflag:s8] =	ssyncadd.s32 $0xFFFFC000  }
0x11e: {  	_ =	swait.ge [sflag:s8], $0x4000  }
0x11f: {  	[sflag:s8] =	ssyncset.done $0x0  }
0x120: {  	[sflag:s8] =	ssyncadd.s32 $0xFFFFC000  }
0x121: {  	_ =	swait.ge [sflag:s8], $0x4000  }
0x122: {  	[sflag:s8] =	ssyncset.done $0x0  }
0x123: {  	[sflag:s8] =	ssyncadd.s32 $0xFFFFC000  }
0x124: {  	_ =	swait.ge [sflag:s8], $0x4000  }
0x125: {  	[sflag:s8] =	ssyncset.done $0x0  }
0x126: {  	s26 =	rddreg [dreg:$0xb];
	[sflag:s8] =	ssyncadd.s32 $0xFFFFC000  }
0x127: {  	[hbm4b:s26+s2] =	stream.linear.scatter [tilespmem:s11], [sflag:$0x2], $0x10000, $0x38;
	[tilespmem:$0x10A00] =	vst v63  }
0x128: {  	_ =	swait.ge [sflag:s4], $0x10000  }
0x129: {  	[sflag:s4] =	ssyncset.done $0x0  }
0x12a: {  	s28 =	rddreg [dreg:$0xc];
	[sflag:s4] =	ssyncadd.s32 $0xFFFF0000  }
0x12b: {  	[tilespmem:s2], [sflag:$0x2] =	stream.linear.gather [hbm4b:s28+s2], $0x200, $0x38;
	[tilespmem:$0x10A00] =	vst v63  }
0x12c: {  	_ =	swait.ge [sflag:s4], $0x200  }
0x12d: {  	[sflag:s4] =	ssyncset.done $0x0  }
0x12e: {  	[sflag:s4] =	ssyncadd.s32 $0xFFFFFE00  }
0x12f: {  	[tilespmem:s11], [sflag:$0x1] =	stream.indirect.gather [hbm4b:s7+s10], $0x80, s2, s10, $0xb8;
	[tilespmem:$0x10A00] =	vst v63  }
0x130: {  	_ = 	snop  }
0x131: {  	[tilespmem:s12], [sflag:$0x1] =	stream.indirect.gather [hbm4b:s7+s10], $0x80, s10, s10, $0xb8;
	[tilespmem:$0x10A00] =	vst v63  }
0x132: {  	_ = 	snop  }
0x133: {  	[tilespmem:s14], [sflag:$0x1] =	stream.indirect.gather [hbm4b:s7+s10], $0x80, s13, s10, $0xb8;
	[tilespmem:$0x10A00] =	vst v63  }
0x134: {  	_ = 	snop  }
0x135: {  	[tilespmem:s16], [sflag:$0x1] =	stream.indirect.gather [hbm4b:s7+s10], $0x80, s15, s10, $0xb8;
	[tilespmem:$0x10A00] =	vst v63  }
0x136: {  	_ =	swait.ge [sflag:s8], $0x4000  }
0x137: {  	[sflag:s8] =	ssyncset.done $0x0  }
0x138: {  	[sflag:s8] =	ssyncadd.s32 $0xFFFFC000  }
0x139: {  	_ =	swait.ge [sflag:s8], $0x4000  }
0x13a: {  	[sflag:s8] =	ssyncset.done $0x0  }
0x13b: {  	[sflag:s8] =	ssyncadd.s32 $0xFFFFC000  }
0x13c: {  	_ =	swait.ge [sflag:s8], $0x4000  }
0x13d: {  	[sflag:s8] =	ssyncset.done $0x0  }
0x13e: {  	[sflag:s8] =	ssyncadd.s32 $0xFFFFC000  }
0x13f: {  	_ =	swait.ge [sflag:s8], $0x4000  }
0x140: {  	[sflag:s8] =	ssyncset.done $0x0  }
0x141: {  	s29 =	rddreg [dreg:$0xd];
	[sflag:s8] =	ssyncadd.s32 $0xFFFFC000  }
0x142: {  	[hbm4b:s29+s2] =	stream.linear.scatter [tilespmem:s11], [sflag:$0x2], $0x10000, $0x38;
	[tilespmem:$0x10A00] =	vst v63  }
0x143: {  	_ =	swait.ge [sflag:s4], $0x10000  }
0x144: {  	[sflag:s4] =	ssyncset.done $0x0  }
0x145: {  	[sflag:s4] =	ssyncadd.s32 $0xFFFF0000  }
0x146: {  	_ =	swait.ge [sflag:s8], $0x80  }
0x147: {  	[sflag:s8] =	ssyncset.done $0x0  }
0x148: {  	[sflag:s8] =	ssyncadd.s32 $0xFFFFFF80  }
0x149: {  	_ =	swait.ge [sflag:s8], $0x80  }
0x14a: {  	[sflag:s8] =	ssyncset.done $0x0  }
0x14b: {  	[sflag:s8] =	ssyncadd.s32 $0xFFFFFF80  }
0x14c: {  	_ =	swait.ge [sflag:s8], $0x80  }
0x14d: {  	[sflag:s8] =	ssyncset.done $0x0  }
0x14e: {  	[sflag:s8] =	ssyncadd.s32 $0xFFFFFF80  }
0x14f: {  	_ =	swait.ge [sflag:s8], $0x80  }
0x150: {  	[sflag:s8] =	ssyncset.done $0x0  }
0x151: {  	[sflag:s8] =	ssyncadd.s32 $0xFFFFFF80  }
0x152: {  	_ =	swait.ge [sflag:s8], $0x80  }
0x153: {  	[sflag:s8] =	ssyncset.done $0x0  }
0x154: {  	[sflag:s8] =	ssyncadd.s32 $0xFFFFFF80  }
0x155: {  	_ =	swait.ge [sflag:s8], $0x80  }
0x156: {  	[sflag:s8] =	ssyncset.done $0x0  }
0x157: {  	[sflag:s8] =	ssyncadd.s32 $0xFFFFFF80  }
0x158: {  	_ =	swait.ge [sflag:s8], $0x80  }
0x159: {  	[sflag:s8] =	ssyncset.done $0x0  }
0x15a: {  	[sflag:s8] =	ssyncadd.s32 $0xFFFFFF80  }
0x15b: {  	_ =	swait.ge [sflag:s8], $0x80  }
0x15c: {  	[sflag:s8] =	ssyncset.done $0x0  }
0x15d: {  	s30 =	rddreg [dreg:$0xe];
	[sflag:s8] =	ssyncadd.s32 $0xFFFFFF80  }
0x15e: {  	[hbm4b:s30+s2] =	stream.linear.scatter [tilespmem:s6], [sflag:$0x2], $0x200, $0x38;
	[tilespmem:$0x10A00] =	vst v63  }
0x15f: {  	_ =	swait.ge [sflag:s4], $0x200  }
0x160: {  	[sflag:s4] =	ssyncset.done $0x0  }
0x161: {  	[sflag:s4] =	ssyncadd.s32 $0xFFFFFE00  }
0x162: {  	[hbm4b:s3+s2] =	stream.linear.scatter [tilespmem:s5], [sflag:$0x2], $0x200, $0x38;
	[tilespmem:$0x10A00] =	vst v63  }
0x163: {  	_ =	swait.ge [sflag:s4], $0x200  }
0x164: {  	[sflag:s4] =	ssyncset.done $0x0  }
0x165: {  	[sflag:s4] =	ssyncadd.s32 $0xFFFFFE00  }
0x166: {  	_ =	sfence.sel $0x180000  }
0x167: {  	[bflag:$0x0] =	sbarrier.arrive $0xFFFF  }
0x168: {  	_ =	strace $0x90000047  }
0x169: {  	s31 =	stileid.u32;
	[bflag:$0x2] =	sbarrier.arrive $0xFFFF  }
0x16a: {  	p0 =	sne.s32 s31, $0x0;
	s0 =	rddreg [dreg:$0x7]  }
0x16b: {  	s0 =	sadd.s32 @!p0 $0x100000, s0  }
0x16c: {  	[sflag:s0] =	ssyncadd.tile.s32 @!p0 $0x1;
	_ =	shalt  }
.Lfunc_end2:
_tile_overlayer_lowered:
.L_overlay_start_2:
0x16d: {  	(tag) =	ssettag $0x2  }
0x16e: {  	s0 =	rddreg [dreg:$0x0];
	s2 =	stileid.u32  }
0x16f: {  	s1 =	rddreg [dreg:$0x1];
	p0 =	sne.s32 s2, $0x0  }
0x170: {  	s3 =	rddreg [dreg:$0x2];
	[bflag:$0x3] =	sbarrier.arrive $0xFFFF;
	s2 =	simm.s32 @!p0 $0x1C02  }
0x171: {  	[timem:s3], [sflag:s2] =	dma.local @!p0 [hbm:s0], s1  }
0x172: {  	s0 =	simm.s32 @!p0 $0x2  }
0x173: {  	_ =	swait.ge @!p0 [sflag:s0], s1  }
0x174: {  	s1 =	ssub.s32 @!p0 $0x0, s1;
	[sflag:s0] =	ssyncset.done @!p0 $0x0  }
0x175: {  	[sflag:s0] =	ssyncadd.s32 @!p0 s1  }
0x176: {  	[bflag:$0x3] =	sbarrier.arrive $0xFFFF  }
0x177: {  	_ =	shalt  }

</sc_bundles>
